<compile_context>
chip_gen: v7x
topology: tpu7x:2x2x1
jax: 0.10.2.dev20260603
libtpu: 0.0.44.dev20260713+nightly
codegen_flags: <defaults>
</compile_context>

<pallas_src>
import functools

import jax
import jax.numpy as jnp
from jax import lax
from jax.experimental import pallas as pl
from jax.experimental.pallas import tpu as pltpu
from jax.experimental.pallas import tpu_sc as plsc

N = 10000
NP = 10112
CNP = 10240
H = 128
E = 320000

NC = 2
NS = 16
NW = NC * NS
EP = 327680
EPT = EP // NW
C = 128
NCHUNK = EPT // C
RPS = NP // NS
CRPS = CNP // NS
ZB = 79


def _sc_agg_body(with_count, feat_hbm, src_hbm, dst_hbm, *refs):
    if with_count:
        (acc_out, cnt_out, src_v, dst_v, src_b, dst_b, rows_v, rows_b,
         ones_v, zc_v, zb_v, acc_sh, cnt_sh, sem, semb, ssem, csem) = refs
    else:
        (acc_out, src_v, dst_v, src_b, dst_b, rows_v, rows_b, zb_v,
         acc_sh, sem, semb, ssem) = refs

    c = lax.axis_index("c")
    s = lax.axis_index("s")
    wid = c * NS + s

    zeros16 = jnp.zeros((16,), jnp.float32)

    def zrow(r, carry):
        for cc in range(H // 16):
            zb_v[r, pl.ds(cc * 16, 16)] = zeros16
        return carry
    lax.fori_loop(0, ZB, zrow, 0)

    if with_count:
        ones16 = jnp.ones((16,), jnp.float32)

        def orow(r, carry):
            ones_v[pl.ds(r * 16, 16)] = ones16
            return carry
        lax.fori_loop(0, C // 16, orow, 0)

        def zcrow(r, carry):
            zc_v[pl.ds(r * 16, 16)] = zeros16
            return carry
        lax.fori_loop(0, CRPS // 16, zcrow, 0)

    row0 = s * RPS
    for z in range(RPS // ZB):
        pltpu.sync_copy(zb_v, acc_sh.at[pl.ds(row0 + z * ZB, ZB)])
    crow0 = s * CRPS
    if with_count:
        pltpu.sync_copy(zc_v, cnt_sh.at[pl.ds(crow0, CRPS)])
    plsc.subcore_barrier()

    base = wid * EPT
    pltpu.sync_copy(src_hbm.at[pl.ds(base, C)], src_v)
    pltpu.sync_copy(dst_hbm.at[pl.ds(base, C)], dst_v)
    pltpu.async_copy(feat_hbm.at[src_v], rows_v, sem)
    pltpu.sync_copy(src_hbm.at[pl.ds(base + C, C)], src_b)
    pltpu.sync_copy(dst_hbm.at[pl.ds(base + C, C)], dst_b)
    pltpu.async_copy(feat_hbm.at[src_b], rows_b, semb)

    def pair(g, carry):
        i = 2 * g

        pltpu.make_async_copy(feat_hbm.at[src_v], rows_v, sem).wait()
        if with_count:
            pltpu.async_copy(ones_v, cnt_sh.at[dst_v], csem, add=True)
        pltpu.async_copy(rows_v, acc_sh.at[dst_v], ssem, add=True)

        @pl.when(i + 2 < NCHUNK)
        def _():
            offa = base + (i + 2) * C
            pltpu.sync_copy(src_hbm.at[pl.ds(offa, C)], src_v)

        pltpu.make_async_copy(rows_v, acc_sh.at[dst_v], ssem).wait()
        if with_count:
            pltpu.make_async_copy(ones_v, cnt_sh.at[dst_v], csem).wait()

        @pl.when(i + 2 < NCHUNK)
        def _():
            offa = base + (i + 2) * C
            pltpu.sync_copy(dst_hbm.at[pl.ds(offa, C)], dst_v)
            pltpu.async_copy(feat_hbm.at[src_v], rows_v, sem)

        pltpu.make_async_copy(feat_hbm.at[src_b], rows_b, semb).wait()
        if with_count:
            pltpu.async_copy(ones_v, cnt_sh.at[dst_b], csem, add=True)
        pltpu.async_copy(rows_b, acc_sh.at[dst_b], ssem, add=True)

        @pl.when(i + 3 < NCHUNK)
        def _():
            offb = base + (i + 3) * C
            pltpu.sync_copy(src_hbm.at[pl.ds(offb, C)], src_b)

        pltpu.make_async_copy(rows_b, acc_sh.at[dst_b], ssem).wait()
        if with_count:
            pltpu.make_async_copy(ones_v, cnt_sh.at[dst_b], csem).wait()

        @pl.when(i + 3 < NCHUNK)
        def _():
            offb = base + (i + 3) * C
            pltpu.sync_copy(dst_hbm.at[pl.ds(offb, C)], dst_b)
            pltpu.async_copy(feat_hbm.at[src_b], rows_b, semb)
        return carry
    lax.fori_loop(0, NCHUNK // 2, pair, 0)

    plsc.subcore_barrier()

    pltpu.sync_copy(acc_sh.at[pl.ds(row0, RPS)], acc_out.at[c, pl.ds(row0, RPS)])
    if with_count:
        pltpu.sync_copy(cnt_sh.at[pl.ds(crow0, CRPS)],
                        cnt_out.at[c, pl.ds(crow0, CRPS)])


def _make_sc_agg(with_count):
    mesh = plsc.VectorSubcoreMesh(core_axis_name="c", subcore_axis_name="s")
    out_type = [jax.ShapeDtypeStruct((NC, NP, H), jnp.float32)]
    scratch = [
        pltpu.VMEM((C,), jnp.int32),
        pltpu.VMEM((C,), jnp.int32),
        pltpu.VMEM((C,), jnp.int32),
        pltpu.VMEM((C,), jnp.int32),
        pltpu.VMEM((C, H), jnp.float32),
        pltpu.VMEM((C, H), jnp.float32),
    ]
    if with_count:
        out_type.append(jax.ShapeDtypeStruct((NC, CNP), jnp.float32))
        scratch += [
            pltpu.VMEM((C,), jnp.float32),
            pltpu.VMEM((CRPS,), jnp.float32),
        ]
    scratch += [
        pltpu.VMEM((ZB, H), jnp.float32),
        pltpu.VMEM_SHARED((NP, H), jnp.float32),
    ]
    if with_count:
        scratch.append(pltpu.VMEM_SHARED((CNP,), jnp.float32))
    scratch.append(pltpu.SemaphoreType.DMA)
    scratch.append(pltpu.SemaphoreType.DMA)
    scratch.append(pltpu.SemaphoreType.DMA)
    if with_count:
        scratch.append(pltpu.SemaphoreType.DMA)
    return pl.kernel(
        functools.partial(_sc_agg_body, with_count),
        out_type=out_type, mesh=mesh, scratch_types=scratch,
    )


_sc_agg_l1 = _make_sc_agg(True)
_sc_agg_l2 = _make_sc_agg(False)


BLK = 5056


def _tc_layer_body(acc_ref, cnt_ref, feat_ref, wl_ref, b_ref, wr_ref, out_ref):
    acc = acc_ref[0] + acc_ref[1]
    cnt = cnt_ref[0] + cnt_ref[1]
    mean = acc / jnp.maximum(cnt, 1.0)
    h = lax.dot_general(mean, wl_ref[...], (((1,), (1,)), ((), ())),
                        preferred_element_type=jnp.float32)
    h = h + lax.dot_general(feat_ref[...], wr_ref[...], (((1,), (1,)), ((), ())),
                            preferred_element_type=jnp.float32)
    h = h + b_ref[...]
    out_ref[...] = jnp.maximum(h, 0.0)


def _tc_layer(acc, cnt, feat, W_l, b_l, W_r):
    return pl.pallas_call(
        _tc_layer_body,
        grid=(NP // BLK,),
        in_specs=[
            pl.BlockSpec((NC, BLK, H), lambda i: (0, i, 0)),
            pl.BlockSpec((NC, BLK, 1), lambda i: (0, i, 0)),
            pl.BlockSpec((BLK, H), lambda i: (i, 0)),
            pl.BlockSpec((H, H), lambda i: (0, 0)),
            pl.BlockSpec((1, H), lambda i: (0, 0)),
            pl.BlockSpec((H, H), lambda i: (0, 0)),
        ],
        out_specs=pl.BlockSpec((BLK, H), lambda i: (i, 0)),
        out_shape=jax.ShapeDtypeStruct((NP, H), jnp.float32),
    )(acc, cnt[:, :NP].reshape(NC, NP, 1), feat, W_l, b_l.reshape(1, H), W_r)


def kernel(x, edge_index, W_l1, b_l1, W_r1, W_l2, b_l2, W_r2):
    ei = edge_index.astype(jnp.int32)
    npad = EP - E
    pad_src = jnp.arange(npad, dtype=jnp.int32) * 37 % N
    pad_dst = N + (jnp.arange(npad, dtype=jnp.int32) % (NP - N))
    eip = jnp.concatenate([ei, jnp.stack([pad_src, pad_dst])], axis=1)
    src = eip[0]
    dst = eip[1]
    xp = jnp.pad(x, ((0, NP - N), (0, 0)))
    acc1, cnt = _sc_agg_l1(xp, src, dst)
    h1 = _tc_layer(acc1, cnt, xp, W_l1, b_l1, W_r1)
    (acc2,) = _sc_agg_l2(h1, src, dst)
    h2 = _tc_layer(acc2, cnt, h1, W_l2, b_l2, W_r2)
    return h2[:N]

# --- scband reference (transcript-rebuilt; emitter-appended) ---
"""Pipeline reference for scband-meta-gnn-21543555957432 (READ-ONLY COPY).

The authoritative reference and input builder live on the scoring server;
editing this copy changes nothing except your own understanding.
"""

import jax, jax.numpy as jnp
import numpy as np

HIDDEN = 128
N_NODES = 10000
N_EDGES = 320000


def _sage_conv(x, edge_index, W_l, b_l, W_r):
    # PyG SAGEConv (aggr='mean'): out = lin_l(mean_j(x_j)) + lin_r(x)
    src = edge_index[0]
    dst = edge_index[1]
    msgs = x[src]  # gather: [E, d]
    n = x.shape[0]
    agg = jax.ops.segment_sum(msgs, dst, num_segments=n)  # scatter-add
    cnt = jax.ops.segment_sum(jnp.ones((msgs.shape[0], 1), dtype=x.dtype), dst, num_segments=n)
    mean = agg / jnp.maximum(cnt, 1.0)
    return mean @ W_l.T + b_l + x @ W_r.T


def setup_inputs(seed: int = 0) -> dict:
    key = jax.random.key(seed)
    ks = jax.random.split(key, 8)
    x = jax.random.normal(ks[0], (N_NODES, HIDDEN), dtype=jnp.float32)
    edge_index = jax.random.randint(ks[1], (2, N_EDGES), 0, N_NODES, dtype=jnp.int64)
    s = 1.0 / np.sqrt(HIDDEN)
    W_l1 = jax.random.uniform(ks[2], (HIDDEN, HIDDEN), jnp.float32, -s, s)
    b_l1 = jnp.zeros((HIDDEN,), jnp.float32)
    W_r1 = jax.random.uniform(ks[3], (HIDDEN, HIDDEN), jnp.float32, -s, s)
    W_l2 = jax.random.uniform(ks[4], (HIDDEN, HIDDEN), jnp.float32, -s, s)
    b_l2 = jnp.zeros((HIDDEN,), jnp.float32)
    W_r2 = jax.random.uniform(ks[5], (HIDDEN, HIDDEN), jnp.float32, -s, s)
    return {"x": x, "edge_index": edge_index, "W_l1": W_l1, "b_l1": b_l1, "W_r1": W_r1,
            "W_l2": W_l2, "b_l2": b_l2, "W_r2": W_r2}


def reference(x, edge_index, W_l1, b_l1, W_r1, W_l2, b_l2, W_r2):
    # Layer 1
    h = _sage_conv(x, edge_index, W_l1, b_l1, W_r1)
    h = jax.nn.relu(h)
    # dropout is identity in eval mode (deterministic reference)
    # Layer 2
    h = _sage_conv(h, edge_index, W_l2, b_l2, W_r2)
    h = jax.nn.relu(h)
    return h

if __name__ == "__main__":
    import jax
    _d = setup_inputs()
    print(jax.jit(kernel)(*tuple(_d.values())))

</pallas_src>

<mosaic_0001>
#map = affine_map<(d0, d1) -> (0, 0)>
#map1 = affine_map<(d0, d1) -> (0)>
#map2 = affine_map<(d0, d1) -> (0, 0, 0)>
module attributes {stable_mosaic.version = 14 : i64} {
  func.func @_sc_agg_body(%arg0: i32, %arg1: i32, %arg2: memref<10112x128xf32, #tpu.memory_space<hbm>>, %arg3: memref<327680xi32, #tpu.memory_space<hbm>>, %arg4: memref<327680xi32, #tpu.memory_space<hbm>>, %arg5: memref<2x10112x128xf32, #tpu.memory_space<hbm>>, %arg6: memref<2x10240xf32, #tpu.memory_space<hbm>>, %arg7: memref<128xi32, #tpu.memory_space<vmem>>, %arg8: memref<128xi32, #tpu.memory_space<vmem>>, %arg9: memref<128xi32, #tpu.memory_space<vmem>>, %arg10: memref<128xi32, #tpu.memory_space<vmem>>, %arg11: memref<128x128xf32, #tpu.memory_space<vmem>>, %arg12: memref<128x128xf32, #tpu.memory_space<vmem>>, %arg13: memref<128xf32, #tpu.memory_space<vmem>>, %arg14: memref<640xf32, #tpu.memory_space<vmem>>, %arg15: memref<79x128xf32, #tpu.memory_space<vmem>>, %arg16: memref<10112x128xf32, #tpu.memory_space<vmem_shared>>, %arg17: memref<10240xf32, #tpu.memory_space<vmem_shared>>, %arg18: memref<!tpu.dma_semaphore, #tpu.memory_space<semaphore_mem>>, %arg19: memref<!tpu.dma_semaphore, #tpu.memory_space<semaphore_mem>>, %arg20: memref<!tpu.dma_semaphore, #tpu.memory_space<semaphore_mem>>, %arg21: memref<!tpu.dma_semaphore, #tpu.memory_space<semaphore_mem>>) attributes {dimension_semantics = [#tpu.dimension_semantics<core_parallel>, #tpu.dimension_semantics<subcore_parallel>], iteration_bounds = array<i64: 2, 16>, scalar_prefetch = 0 : i64, scratch_operands = 15 : i64, tpu.core_type = #tpu.core_type<sc_vector_subcore>, window_params = [{transform_indices = #map}, {transform_indices = #map1}, {transform_indices = #map1}, {transform_indices = #map2}, {transform_indices = #map}]} {
    %mul3A = arith.constant 16 : i32
    %mul3A_0 = arith.muli %arg0, %mul3A : i32
    %add3A = arith.addi %mul3A_0, %arg1 : i32
    %broadcast_in_dim3A = arith.constant 0.000000e+00 : f32
    %broadcast_in_dim3A_1 = vector.broadcast %broadcast_in_dim3A : f32 to vector<16xf32>
    %scan3A = arith.constant 0 : i32
    %scan3A_2 = arith.constant 0 : i32
    %scan3A_3 = arith.constant 79 : i32
    %scan3A_4 = arith.addi %scan3A_2, %scan3A_3 : i32
    %scan3A_5 = arith.constant 1 : i32
    scf.for %scan3A_59 = %scan3A_2 to %scan3A_4 step %scan3A_5  : i32 {
      %swap3A = arith.index_cast %scan3A_59 : i32 to index
      %swap3A_60 = arith.constant 0 : index
      %swap3A_61 = tpu.vector_load %arg15[%swap3A, %swap3A_60] {strides = array<i32>} : memref<79x128xf32, #tpu.memory_space<vmem>>, vector<1x16xf32>,
      %swap3A_62 = vector.shape_cast %swap3A_61 : vector<1x16xf32> to vector<16xf32>
      %swap3A_63 = vector.shape_cast %broadcast_in_dim3A_1 : vector<16xf32> to vector<1x16xf32>
      tpu.vector_store %arg15[%swap3A, %swap3A_60], %swap3A_63 {strides = array<i32>} : memref<79x128xf32, #tpu.memory_space<vmem>>, vector<1x16xf32>,
      %swap3A_64 = arith.index_cast %scan3A_59 : i32 to index
      %swap3A_65 = arith.constant 16 : index
      %swap3A_66 = tpu.vector_load %arg15[%swap3A_64, %swap3A_65] {strides = array<i32>} : memref<79x128xf32, #tpu.memory_space<vmem>>, vector<1x16xf32>,
      %swap3A_67 = vector.shape_cast %swap3A_66 : vector<1x16xf32> to vector<16xf32>
      %swap3A_68 = vector.shape_cast %broadcast_in_dim3A_1 : vector<16xf32> to vector<1x16xf32>
      tpu.vector_store %arg15[%swap3A_64, %swap3A_65], %swap3A_68 {strides = array<i32>} : memref<79x128xf32, #tpu.memory_space<vmem>>, vector<1x16xf32>,
      %swap3A_69 = arith.index_cast %scan3A_59 : i32 to index
      %swap3A_70 = arith.constant 32 : index
      %swap3A_71 = tpu.vector_load %arg15[%swap3A_69, %swap3A_70] {strides = array<i32>} : memref<79x128xf32, #tpu.memory_space<vmem>>, vector<1x16xf32>,
      %swap3A_72 = vector.shape_cast %swap3A_71 : vector<1x16xf32> to vector<16xf32>
      %swap3A_73 = vector.shape_cast %broadcast_in_dim3A_1 : vector<16xf32> to vector<1x16xf32>
      tpu.vector_store %arg15[%swap3A_69, %swap3A_70], %swap3A_73 {strides = array<i32>} : memref<79x128xf32, #tpu.memory_space<vmem>>, vector<1x16xf32>,
      %swap3A_74 = arith.index_cast %scan3A_59 : i32 to index
      %swap3A_75 = arith.constant 48 : index
      %swap3A_76 = tpu.vector_load %arg15[%swap3A_74, %swap3A_75] {strides = array<i32>} : memref<79x128xf32, #tpu.memory_space<vmem>>, vector<1x16xf32>,
      %swap3A_77 = vector.shape_cast %swap3A_76 : vector<1x16xf32> to vector<16xf32>
      %swap3A_78 = vector.shape_cast %broadcast_in_dim3A_1 : vector<16xf32> to vector<1x16xf32>
      tpu.vector_store %arg15[%swap3A_74, %swap3A_75], %swap3A_78 {strides = array<i32>} : memref<79x128xf32, #tpu.memory_space<vmem>>, vector<1x16xf32>,
      %swap3A_79 = arith.index_cast %scan3A_59 : i32 to index
      %swap3A_80 = arith.constant 64 : index
      %swap3A_81 = tpu.vector_load %arg15[%swap3A_79, %swap3A_80] {strides = array<i32>} : memref<79x128xf32, #tpu.memory_space<vmem>>, vector<1x16xf32>,
      %swap3A_82 = vector.shape_cast %swap3A_81 : vector<1x16xf32> to vector<16xf32>
      %swap3A_83 = vector.shape_cast %broadcast_in_dim3A_1 : vector<16xf32> to vector<1x16xf32>
      tpu.vector_store %arg15[%swap3A_79, %swap3A_80], %swap3A_83 {strides = array<i32>} : memref<79x128xf32, #tpu.memory_space<vmem>>, vector<1x16xf32>,
      %swap3A_84 = arith.index_cast %scan3A_59 : i32 to index
      %swap3A_85 = arith.constant 80 : index
      %swap3A_86 = tpu.vector_load %arg15[%swap3A_84, %swap3A_85] {strides = array<i32>} : memref<79x128xf32, #tpu.memory_space<vmem>>, vector<1x16xf32>,
      %swap3A_87 = vector.shape_cast %swap3A_86 : vector<1x16xf32> to vector<16xf32>
      %swap3A_88 = vector.shape_cast %broadcast_in_dim3A_1 : vector<16xf32> to vector<1x16xf32>
      tpu.vector_store %arg15[%swap3A_84, %swap3A_85], %swap3A_88 {strides = array<i32>} : memref<79x128xf32, #tpu.memory_space<vmem>>, vector<1x16xf32>,
      %swap3A_89 = arith.index_cast %scan3A_59 : i32 to index
      %swap3A_90 = arith.constant 96 : index
      %swap3A_91 = tpu.vector_load %arg15[%swap3A_89, %swap3A_90] {strides = array<i32>} : memref<79x128xf32, #tpu.memory_space<vmem>>, vector<1x16xf32>,
      %swap3A_92 = vector.shape_cast %swap3A_91 : vector<1x16xf32> to vector<16xf32>
      %swap3A_93 = vector.shape_cast %broadcast_in_dim3A_1 : vector<16xf32> to vector<1x16xf32>
      tpu.vector_store %arg15[%swap3A_89, %swap3A_90], %swap3A_93 {strides = array<i32>} : memref<79x128xf32, #tpu.memory_space<vmem>>, vector<1x16xf32>,
      %swap3A_94 = arith.index_cast %scan3A_59 : i32 to index
      %swap3A_95 = arith.constant 112 : index
      %swap3A_96 = tpu.vector_load %arg15[%swap3A_94, %swap3A_95] {strides = array<i32>} : memref<79x128xf32, #tpu.memory_space<vmem>>, vector<1x16xf32>,
      %swap3A_97 = vector.shape_cast %swap3A_96 : vector<1x16xf32> to vector<16xf32>
      %swap3A_98 = vector.shape_cast %broadcast_in_dim3A_1 : vector<16xf32> to vector<1x16xf32>
      tpu.vector_store %arg15[%swap3A_94, %swap3A_95], %swap3A_98 {strides = array<i32>} : memref<79x128xf32, #tpu.memory_space<vmem>>, vector<1x16xf32>,
    }
    %scan3A_6 = arith.constant 79 : i32
    %broadcast_in_dim3A_7 = arith.constant 1.000000e+00 : f32
    %broadcast_in_dim3A_8 = vector.broadcast %broadcast_in_dim3A_7 : f32 to vector<16xf32>
    %scan3A_9 = arith.constant 0 : i32
    %scan3A_10 = arith.constant 0 : i32
    %scan3A_11 = arith.constant 8 : i32
    %scan3A_12 = arith.addi %scan3A_10, %scan3A_11 : i32
    %scan3A_13 = arith.constant 1 : i32
    scf.for %scan3A_59 = %scan3A_10 to %scan3A_12 step %scan3A_13  : i32 {
      %mul3A_60 = arith.constant 16 : i32
      %mul3A_61 = arith.muli %scan3A_59, %mul3A_60 : i32
      %swap3A = arith.index_cast %mul3A_61 : i32 to index
      %swap3A_62 = tpu.vector_load %arg13[%swap3A] {strides = array<i32>} : memref<128xf32, #tpu.memory_space<vmem>>, vector<16xf32>,
      %swap3A_63 = vector.shape_cast %swap3A_62 : vector<16xf32> to vector<16xf32>
      %swap3A_64 = vector.shape_cast %broadcast_in_dim3A_8 : vector<16xf32> to vector<16xf32>
      tpu.vector_store %arg13[%swap3A], %swap3A_64 {strides = array<i32>} : memref<128xf32, #tpu.memory_space<vmem>>, vector<16xf32>,
    }
    %scan3A_14 = arith.constant 8 : i32
    %scan3A_15 = arith.constant 0 : i32
    %scan3A_16 = arith.constant 0 : i32
    %scan3A_17 = arith.constant 40 : i32
    %scan3A_18 = arith.addi %scan3A_16, %scan3A_17 : i32
    %scan3A_19 = arith.constant 1 : i32
    scf.for %scan3A_59 = %scan3A_16 to %scan3A_18 step %scan3A_19  : i32 {
      %mul3A_60 = arith.constant 16 : i32
      %mul3A_61 = arith.muli %scan3A_59, %mul3A_60 : i32
      %swap3A = arith.index_cast %mul3A_61 : i32 to index
      %swap3A_62 = tpu.vector_load %arg14[%swap3A] {strides = array<i32>} : memref<640xf32, #tpu.memory_space<vmem>>, vector<16xf32>,
      %swap3A_63 = vector.shape_cast %swap3A_62 : vector<16xf32> to vector<16xf32>
      %swap3A_64 = vector.shape_cast %broadcast_in_dim3A_1 : vector<16xf32> to vector<16xf32>
      tpu.vector_store %arg14[%swap3A], %swap3A_64 {strides = array<i32>} : memref<640xf32, #tpu.memory_space<vmem>>, vector<16xf32>,
    }
    %scan3A_20 = arith.constant 40 : i32
    %mul3A_21 = arith.constant 632 : i32
    %mul3A_22 = arith.muli %arg1, %mul3A_21 : i32
    %add3A_23 = arith.constant 0 : i32
    %add3A_24 = arith.addi %mul3A_22, %add3A_23 : i32
    "tpu.region"() ({
      %run_scoped3A = tpu.sem_alloc : memref<!tpu.dma_semaphore, #tpu.memory_space<semaphore_mem>>
      %dma_start3A_59 = arith.constant 0 : i32
      %dma_start3A_60 = tpu.memref_slice %arg16[%add3A_24, %dma_start3A_59] : memref<10112x128xf32, #tpu.memory_space<vmem_shared>> -> memref<79x128xf32, #tpu.memory_space<vmem_shared>>
      %dma_start3A_61 = arith.constant 0 : i32
      %dma_start3A_62 = tpu.memref_slice %arg16[%add3A_24, %dma_start3A_61] : memref<10112x128xf32, #tpu.memory_space<vmem_shared>> -> memref<79x128xf32, #tpu.memory_space<vmem_shared>>
      tpu.enqueue_dma source(%arg15 : memref<79x128xf32, #tpu.memory_space<vmem>>) target(%dma_start3A_62 : memref<79x128xf32, #tpu.memory_space<vmem_shared>>) target_semaphore(%run_scoped3A : memref<!tpu.dma_semaphore, #tpu.memory_space<semaphore_mem>>)
      %dma_wait3A = arith.constant 0 : i32
      %dma_wait3A_63 = tpu.memref_slice %arg16[%add3A_24, %dma_wait3A] : memref<10112x128xf32, #tpu.memory_space<vmem_shared>> -> memref<79x128xf32, #tpu.memory_space<vmem_shared>>
      %dma_wait3A_64 = arith.constant 0 : i32
      %dma_wait3A_65 = tpu.memref_slice %arg16[%add3A_24, %dma_wait3A_64] : memref<10112x128xf32, #tpu.memory_space<vmem_shared>> -> memref<79x128xf32, #tpu.memory_space<vmem_shared>>
      tpu.wait_dma2 semaphore(%run_scoped3A : memref<!tpu.dma_semaphore, #tpu.memory_space<semaphore_mem>>) src(%arg15 : memref<79x128xf32, #tpu.memory_space<vmem>>) dst(%dma_wait3A_65 : memref<79x128xf32, #tpu.memory_space<vmem_shared>>)
      tpu.yield
    }) : () -> ()
    %add3A_25 = arith.constant 79 : i32
    %add3A_26 = arith.addi %mul3A_22, %add3A_25 : i32
    "tpu.region"() ({
      %run_scoped3A = tpu.sem_alloc : memref<!tpu.dma_semaphore, #tpu.memory_space<semaphore_mem>>
      %dma_start3A_59 = arith.constant 0 : i32
      %dma_start3A_60 = tpu.memref_slice %arg16[%add3A_26, %dma_start3A_59] : memref<10112x128xf32, #tpu.memory_space<vmem_shared>> -> memref<79x128xf32, #tpu.memory_space<vmem_shared>>
      %dma_start3A_61 = arith.constant 0 : i32
      %dma_start3A_62 = tpu.memref_slice %arg16[%add3A_26, %dma_start3A_61] : memref<10112x128xf32, #tpu.memory_space<vmem_shared>> -> memref<79x128xf32, #tpu.memory_space<vmem_shared>>
      tpu.enqueue_dma source(%arg15 : memref<79x128xf32, #tpu.memory_space<vmem>>) target(%dma_start3A_62 : memref<79x128xf32, #tpu.memory_space<vmem_shared>>) target_semaphore(%run_scoped3A : memref<!tpu.dma_semaphore, #tpu.memory_space<semaphore_mem>>)
      %dma_wait3A = arith.constant 0 : i32
      %dma_wait3A_63 = tpu.memref_slice %arg16[%add3A_26, %dma_wait3A] : memref<10112x128xf32, #tpu.memory_space<vmem_shared>> -> memref<79x128xf32, #tpu.memory_space<vmem_shared>>
      %dma_wait3A_64 = arith.constant 0 : i32
      %dma_wait3A_65 = tpu.memref_slice %arg16[%add3A_26, %dma_wait3A_64] : memref<10112x128xf32, #tpu.memory_space<vmem_shared>> -> memref<79x128xf32, #tpu.memory_space<vmem_shared>>
      tpu.wait_dma2 semaphore(%run_scoped3A : memref<!tpu.dma_semaphore, #tpu.memory_space<semaphore_mem>>) src(%arg15 : memref<79x128xf32, #tpu.memory_space<vmem>>) dst(%dma_wait3A_65 : memref<79x128xf32, #tpu.memory_space<vmem_shared>>)
      tpu.yield
    }) : () -> ()
    %add3A_27 = arith.constant 158 : i32
    %add3A_28 = arith.addi %mul3A_22, %add3A_27 : i32
    "tpu.region"() ({
      %run_scoped3A = tpu.sem_alloc : memref<!tpu.dma_semaphore, #tpu.memory_space<semaphore_mem>>
      %dma_start3A_59 = arith.constant 0 : i32
      %dma_start3A_60 = tpu.memref_slice %arg16[%add3A_28, %dma_start3A_59] : memref<10112x128xf32, #tpu.memory_space<vmem_shared>> -> memref<79x128xf32, #tpu.memory_space<vmem_shared>>
      %dma_start3A_61 = arith.constant 0 : i32
      %dma_start3A_62 = tpu.memref_slice %arg16[%add3A_28, %dma_start3A_61] : memref<10112x128xf32, #tpu.memory_space<vmem_shared>> -> memref<79x128xf32, #tpu.memory_space<vmem_shared>>
      tpu.enqueue_dma source(%arg15 : memref<79x128xf32, #tpu.memory_space<vmem>>) target(%dma_start3A_62 : memref<79x128xf32, #tpu.memory_space<vmem_shared>>) target_semaphore(%run_scoped3A : memref<!tpu.dma_semaphore, #tpu.memory_space<semaphore_mem>>)
      %dma_wait3A = arith.constant 0 : i32
      %dma_wait3A_63 = tpu.memref_slice %arg16[%add3A_28, %dma_wait3A] : memref<10112x128xf32, #tpu.memory_space<vmem_shared>> -> memref<79x128xf32, #tpu.memory_space<vmem_shared>>
      %dma_wait3A_64 = arith.constant 0 : i32
      %dma_wait3A_65 = tpu.memref_slice %arg16[%add3A_28, %dma_wait3A_64] : memref<10112x128xf32, #tpu.memory_space<vmem_shared>> -> memref<79x128xf32, #tpu.memory_space<vmem_shared>>
      tpu.wait_dma2 semaphore(%run_scoped3A : memref<!tpu.dma_semaphore, #tpu.memory_space<semaphore_mem>>) src(%arg15 : memref<79x128xf32, #tpu.memory_space<vmem>>) dst(%dma_wait3A_65 : memref<79x128xf32, #tpu.memory_space<vmem_shared>>)
      tpu.yield
    }) : () -> ()
    %add3A_29 = arith.constant 237 : i32
    %add3A_30 = arith.addi %mul3A_22, %add3A_29 : i32
    "tpu.region"() ({
      %run_scoped3A = tpu.sem_alloc : memref<!tpu.dma_semaphore, #tpu.memory_space<semaphore_mem>>
      %dma_start3A_59 = arith.constant 0 : i32
      %dma_start3A_60 = tpu.memref_slice %arg16[%add3A_30, %dma_start3A_59] : memref<10112x128xf32, #tpu.memory_space<vmem_shared>> -> memref<79x128xf32, #tpu.memory_space<vmem_shared>>
      %dma_start3A_61 = arith.constant 0 : i32
      %dma_start3A_62 = tpu.memref_slice %arg16[%add3A_30, %dma_start3A_61] : memref<10112x128xf32, #tpu.memory_space<vmem_shared>> -> memref<79x128xf32, #tpu.memory_space<vmem_shared>>
      tpu.enqueue_dma source(%arg15 : memref<79x128xf32, #tpu.memory_space<vmem>>) target(%dma_start3A_62 : memref<79x128xf32, #tpu.memory_space<vmem_shared>>) target_semaphore(%run_scoped3A : memref<!tpu.dma_semaphore, #tpu.memory_space<semaphore_mem>>)
      %dma_wait3A = arith.constant 0 : i32
      %dma_wait3A_63 = tpu.memref_slice %arg16[%add3A_30, %dma_wait3A] : memref<10112x128xf32, #tpu.memory_space<vmem_shared>> -> memref<79x128xf32, #tpu.memory_space<vmem_shared>>
      %dma_wait3A_64 = arith.constant 0 : i32
      %dma_wait3A_65 = tpu.memref_slice %arg16[%add3A_30, %dma_wait3A_64] : memref<10112x128xf32, #tpu.memory_space<vmem_shared>> -> memref<79x128xf32, #tpu.memory_space<vmem_shared>>
      tpu.wait_dma2 semaphore(%run_scoped3A : memref<!tpu.dma_semaphore, #tpu.memory_space<semaphore_mem>>) src(%arg15 : memref<79x128xf32, #tpu.memory_space<vmem>>) dst(%dma_wait3A_65 : memref<79x128xf32, #tpu.memory_space<vmem_shared>>)
      tpu.yield
    }) : () -> ()
    %add3A_31 = arith.constant 316 : i32
    %add3A_32 = arith.addi %mul3A_22, %add3A_31 : i32
    "tpu.region"() ({
      %run_scoped3A = tpu.sem_alloc : memref<!tpu.dma_semaphore, #tpu.memory_space<semaphore_mem>>
      %dma_start3A_59 = arith.constant 0 : i32
      %dma_start3A_60 = tpu.memref_slice %arg16[%add3A_32, %dma_start3A_59] : memref<10112x128xf32, #tpu.memory_space<vmem_shared>> -> memref<79x128xf32, #tpu.memory_space<vmem_shared>>
      %dma_start3A_61 = arith.constant 0 : i32
      %dma_start3A_62 = tpu.memref_slice %arg16[%add3A_32, %dma_start3A_61] : memref<10112x128xf32, #tpu.memory_space<vmem_shared>> -> memref<79x128xf32, #tpu.memory_space<vmem_shared>>
      tpu.enqueue_dma source(%arg15 : memref<79x128xf32, #tpu.memory_space<vmem>>) target(%dma_start3A_62 : memref<79x128xf32, #tpu.memory_space<vmem_shared>>) target_semaphore(%run_scoped3A : memref<!tpu.dma_semaphore, #tpu.memory_space<semaphore_mem>>)
      %dma_wait3A = arith.constant 0 : i32
      %dma_wait3A_63 = tpu.memref_slice %arg16[%add3A_32, %dma_wait3A] : memref<10112x128xf32, #tpu.memory_space<vmem_shared>> -> memref<79x128xf32, #tpu.memory_space<vmem_shared>>
      %dma_wait3A_64 = arith.constant 0 : i32
      %dma_wait3A_65 = tpu.memref_slice %arg16[%add3A_32, %dma_wait3A_64] : memref<10112x128xf32, #tpu.memory_space<vmem_shared>> -> memref<79x128xf32, #tpu.memory_space<vmem_shared>>
      tpu.wait_dma2 semaphore(%run_scoped3A : memref<!tpu.dma_semaphore, #tpu.memory_space<semaphore_mem>>) src(%arg15 : memref<79x128xf32, #tpu.memory_space<vmem>>) dst(%dma_wait3A_65 : memref<79x128xf32, #tpu.memory_space<vmem_shared>>)
      tpu.yield
    }) : () -> ()
    %add3A_33 = arith.constant 395 : i32
    %add3A_34 = arith.addi %mul3A_22, %add3A_33 : i32
    "tpu.region"() ({
      %run_scoped3A = tpu.sem_alloc : memref<!tpu.dma_semaphore, #tpu.memory_space<semaphore_mem>>
      %dma_start3A_59 = arith.constant 0 : i32
      %dma_start3A_60 = tpu.memref_slice %arg16[%add3A_34, %dma_start3A_59] : memref<10112x128xf32, #tpu.memory_space<vmem_shared>> -> memref<79x128xf32, #tpu.memory_space<vmem_shared>>
      %dma_start3A_61 = arith.constant 0 : i32
      %dma_start3A_62 = tpu.memref_slice %arg16[%add3A_34, %dma_start3A_61] : memref<10112x128xf32, #tpu.memory_space<vmem_shared>> -> memref<79x128xf32, #tpu.memory_space<vmem_shared>>
      tpu.enqueue_dma source(%arg15 : memref<79x128xf32, #tpu.memory_space<vmem>>) target(%dma_start3A_62 : memref<79x128xf32, #tpu.memory_space<vmem_shared>>) target_semaphore(%run_scoped3A : memref<!tpu.dma_semaphore, #tpu.memory_space<semaphore_mem>>)
      %dma_wait3A = arith.constant 0 : i32
      %dma_wait3A_63 = tpu.memref_slice %arg16[%add3A_34, %dma_wait3A] : memref<10112x128xf32, #tpu.memory_space<vmem_shared>> -> memref<79x128xf32, #tpu.memory_space<vmem_shared>>
      %dma_wait3A_64 = arith.constant 0 : i32
      %dma_wait3A_65 = tpu.memref_slice %arg16[%add3A_34, %dma_wait3A_64] : memref<10112x128xf32, #tpu.memory_space<vmem_shared>> -> memref<79x128xf32, #tpu.memory_space<vmem_shared>>
      tpu.wait_dma2 semaphore(%run_scoped3A : memref<!tpu.dma_semaphore, #tpu.memory_space<semaphore_mem>>) src(%arg15 : memref<79x128xf32, #tpu.memory_space<vmem>>) dst(%dma_wait3A_65 : memref<79x128xf32, #tpu.memory_space<vmem_shared>>)
      tpu.yield
    }) : () -> ()
    %add3A_35 = arith.constant 474 : i32
    %add3A_36 = arith.addi %mul3A_22, %add3A_35 : i32
    "tpu.region"() ({
      %run_scoped3A = tpu.sem_alloc : memref<!tpu.dma_semaphore, #tpu.memory_space<semaphore_mem>>
      %dma_start3A_59 = arith.constant 0 : i32
      %dma_start3A_60 = tpu.memref_slice %arg16[%add3A_36, %dma_start3A_59] : memref<10112x128xf32, #tpu.memory_space<vmem_shared>> -> memref<79x128xf32, #tpu.memory_space<vmem_shared>>
      %dma_start3A_61 = arith.constant 0 : i32
      %dma_start3A_62 = tpu.memref_slice %arg16[%add3A_36, %dma_start3A_61] : memref<10112x128xf32, #tpu.memory_space<vmem_shared>> -> memref<79x128xf32, #tpu.memory_space<vmem_shared>>
      tpu.enqueue_dma source(%arg15 : memref<79x128xf32, #tpu.memory_space<vmem>>) target(%dma_start3A_62 : memref<79x128xf32, #tpu.memory_space<vmem_shared>>) target_semaphore(%run_scoped3A : memref<!tpu.dma_semaphore, #tpu.memory_space<semaphore_mem>>)
      %dma_wait3A = arith.constant 0 : i32
      %dma_wait3A_63 = tpu.memref_slice %arg16[%add3A_36, %dma_wait3A] : memref<10112x128xf32, #tpu.memory_space<vmem_shared>> -> memref<79x128xf32, #tpu.memory_space<vmem_shared>>
      %dma_wait3A_64 = arith.constant 0 : i32
      %dma_wait3A_65 = tpu.memref_slice %arg16[%add3A_36, %dma_wait3A_64] : memref<10112x128xf32, #tpu.memory_space<vmem_shared>> -> memref<79x128xf32, #tpu.memory_space<vmem_shared>>
      tpu.wait_dma2 semaphore(%run_scoped3A : memref<!tpu.dma_semaphore, #tpu.memory_space<semaphore_mem>>) src(%arg15 : memref<79x128xf32, #tpu.memory_space<vmem>>) dst(%dma_wait3A_65 : memref<79x128xf32, #tpu.memory_space<vmem_shared>>)
      tpu.yield
    }) : () -> ()
    %add3A_37 = arith.constant 553 : i32
    %add3A_38 = arith.addi %mul3A_22, %add3A_37 : i32
    "tpu.region"() ({
      %run_scoped3A = tpu.sem_alloc : memref<!tpu.dma_semaphore, #tpu.memory_space<semaphore_mem>>
      %dma_start3A_59 = arith.constant 0 : i32
      %dma_start3A_60 = tpu.memref_slice %arg16[%add3A_38, %dma_start3A_59] : memref<10112x128xf32, #tpu.memory_space<vmem_shared>> -> memref<79x128xf32, #tpu.memory_space<vmem_shared>>
      %dma_start3A_61 = arith.constant 0 : i32
      %dma_start3A_62 = tpu.memref_slice %arg16[%add3A_38, %dma_start3A_61] : memref<10112x128xf32, #tpu.memory_space<vmem_shared>> -> memref<79x128xf32, #tpu.memory_space<vmem_shared>>
      tpu.enqueue_dma source(%arg15 : memref<79x128xf32, #tpu.memory_space<vmem>>) target(%dma_start3A_62 : memref<79x128xf32, #tpu.memory_space<vmem_shared>>) target_semaphore(%run_scoped3A : memref<!tpu.dma_semaphore, #tpu.memory_space<semaphore_mem>>)
      %dma_wait3A = arith.constant 0 : i32
      %dma_wait3A_63 = tpu.memref_slice %arg16[%add3A_38, %dma_wait3A] : memref<10112x128xf32, #tpu.memory_space<vmem_shared>> -> memref<79x128xf32, #tpu.memory_space<vmem_shared>>
      %dma_wait3A_64 = arith.constant 0 : i32
      %dma_wait3A_65 = tpu.memref_slice %arg16[%add3A_38, %dma_wait3A_64] : memref<10112x128xf32, #tpu.memory_space<vmem_shared>> -> memref<79x128xf32, #tpu.memory_space<vmem_shared>>
      tpu.wait_dma2 semaphore(%run_scoped3A : memref<!tpu.dma_semaphore, #tpu.memory_space<semaphore_mem>>) src(%arg15 : memref<79x128xf32, #tpu.memory_space<vmem>>) dst(%dma_wait3A_65 : memref<79x128xf32, #tpu.memory_space<vmem_shared>>)
      tpu.yield
    }) : () -> ()
    %mul3A_39 = arith.constant 640 : i32
    %mul3A_40 = arith.muli %arg1, %mul3A_39 : i32
    "tpu.region"() ({
      %run_scoped3A = tpu.sem_alloc : memref<!tpu.dma_semaphore, #tpu.memory_space<semaphore_mem>>
      %dma_start3A_59 = tpu.memref_slice %arg17[%mul3A_40] : memref<10240xf32, #tpu.memory_space<vmem_shared>> -> memref<640xf32, #tpu.memory_space<vmem_shared>>
      %dma_start3A_60 = tpu.memref_slice %arg17[%mul3A_40] : memref<10240xf32, #tpu.memory_space<vmem_shared>> -> memref<640xf32, #tpu.memory_space<vmem_shared>>
      tpu.enqueue_dma source(%arg14 : memref<640xf32, #tpu.memory_space<vmem>>) target(%dma_start3A_60 : memref<640xf32, #tpu.memory_space<vmem_shared>>) target_semaphore(%run_scoped3A : memref<!tpu.dma_semaphore, #tpu.memory_space<semaphore_mem>>)
      %dma_wait3A = tpu.memref_slice %arg17[%mul3A_40] : memref<10240xf32, #tpu.memory_space<vmem_shared>> -> memref<640xf32, #tpu.memory_space<vmem_shared>>
      %dma_wait3A_61 = tpu.memref_slice %arg17[%mul3A_40] : memref<10240xf32, #tpu.memory_space<vmem_shared>> -> memref<640xf32, #tpu.memory_space<vmem_shared>>
      tpu.wait_dma2 semaphore(%run_scoped3A : memref<!tpu.dma_semaphore, #tpu.memory_space<semaphore_mem>>) src(%arg14 : memref<640xf32, #tpu.memory_space<vmem>>) dst(%dma_wait3A_61 : memref<640xf32, #tpu.memory_space<vmem_shared>>)
      tpu.yield
    }) : () -> ()
    %barrier3A = arith.constant 0 : index
    tpu.barrier barrier_id(%barrier3A)
    %mul3A_41 = arith.constant 10240 : i32
    %mul3A_42 = arith.muli %add3A, %mul3A_41 : i32
    "tpu.region"() ({
      %run_scoped3A = tpu.sem_alloc : memref<!tpu.dma_semaphore, #tpu.memory_space<semaphore_mem>>
      %dma_start3A_59 = tpu.memref_slice %arg3[%mul3A_42] : memref<327680xi32, #tpu.memory_space<hbm>> -> memref<128xi32, #tpu.memory_space<hbm>>
      %dma_start3A_60 = tpu.memref_slice %arg3[%mul3A_42] : memref<327680xi32, #tpu.memory_space<hbm>> -> memref<128xi32, #tpu.memory_space<hbm>>
      tpu.enqueue_dma source(%dma_start3A_60 : memref<128xi32, #tpu.memory_space<hbm>>) target(%arg7 : memref<128xi32, #tpu.memory_space<vmem>>) target_semaphore(%run_scoped3A : memref<!tpu.dma_semaphore, #tpu.memory_space<semaphore_mem>>)
      %dma_wait3A = tpu.memref_slice %arg3[%mul3A_42] : memref<327680xi32, #tpu.memory_space<hbm>> -> memref<128xi32, #tpu.memory_space<hbm>>
      %dma_wait3A_61 = tpu.memref_slice %arg3[%mul3A_42] : memref<327680xi32, #tpu.memory_space<hbm>> -> memref<128xi32, #tpu.memory_space<hbm>>
      tpu.wait_dma2 semaphore(%run_scoped3A : memref<!tpu.dma_semaphore, #tpu.memory_space<semaphore_mem>>) src(%dma_wait3A_61 : memref<128xi32, #tpu.memory_space<hbm>>) dst(%arg7 : memref<128xi32, #tpu.memory_space<vmem>>)
      tpu.yield
    }) : () -> ()
    "tpu.region"() ({
      %run_scoped3A = tpu.sem_alloc : memref<!tpu.dma_semaphore, #tpu.memory_space<semaphore_mem>>
      %dma_start3A_59 = tpu.memref_slice %arg4[%mul3A_42] : memref<327680xi32, #tpu.memory_space<hbm>> -> memref<128xi32, #tpu.memory_space<hbm>>
      %dma_start3A_60 = tpu.memref_slice %arg4[%mul3A_42] : memref<327680xi32, #tpu.memory_space<hbm>> -> memref<128xi32, #tpu.memory_space<hbm>>
      tpu.enqueue_dma source(%dma_start3A_60 : memref<128xi32, #tpu.memory_space<hbm>>) target(%arg8 : memref<128xi32, #tpu.memory_space<vmem>>) target_semaphore(%run_scoped3A : memref<!tpu.dma_semaphore, #tpu.memory_space<semaphore_mem>>)
      %dma_wait3A = tpu.memref_slice %arg4[%mul3A_42] : memref<327680xi32, #tpu.memory_space<hbm>> -> memref<128xi32, #tpu.memory_space<hbm>>
      %dma_wait3A_61 = tpu.memref_slice %arg4[%mul3A_42] : memref<327680xi32, #tpu.memory_space<hbm>> -> memref<128xi32, #tpu.memory_space<hbm>>
      tpu.wait_dma2 semaphore(%run_scoped3A : memref<!tpu.dma_semaphore, #tpu.memory_space<semaphore_mem>>) src(%dma_wait3A_61 : memref<128xi32, #tpu.memory_space<hbm>>) dst(%arg8 : memref<128xi32, #tpu.memory_space<vmem>>)
      tpu.yield
    }) : () -> ()
    %dma_start3A = arith.constant 0 : i32
    %dma_start3A_43 = arith.constant 0 : i32
    %dma_start3A_44 = tpu.memref_slice %arg2[%dma_start3A, %dma_start3A_43] : memref<10112x128xf32, #tpu.memory_space<hbm>> -> memref<10112x128xf32, #tpu.memory_space<hbm>>
    tpu.enqueue_indirect_dma source(%dma_start3A_44 : memref<10112x128xf32, #tpu.memory_space<hbm>>) target(%arg11 : memref<128x128xf32, #tpu.memory_space<vmem>>) offsets(%arg7 : memref<128xi32, #tpu.memory_space<vmem>>) semaphore(%arg18 : memref<!tpu.dma_semaphore, #tpu.memory_space<semaphore_mem>>)
    %add3A_45 = arith.constant 128 : i32
    %add3A_46 = arith.addi %mul3A_42, %add3A_45 : i32
    "tpu.region"() ({
      %run_scoped3A = tpu.sem_alloc : memref<!tpu.dma_semaphore, #tpu.memory_space<semaphore_mem>>
      %dma_start3A_59 = tpu.memref_slice %arg3[%add3A_46] : memref<327680xi32, #tpu.memory_space<hbm>> -> memref<128xi32, #tpu.memory_space<hbm>>
      %dma_start3A_60 = tpu.memref_slice %arg3[%add3A_46] : memref<327680xi32, #tpu.memory_space<hbm>> -> memref<128xi32, #tpu.memory_space<hbm>>
      tpu.enqueue_dma source(%dma_start3A_60 : memref<128xi32, #tpu.memory_space<hbm>>) target(%arg9 : memref<128xi32, #tpu.memory_space<vmem>>) target_semaphore(%run_scoped3A : memref<!tpu.dma_semaphore, #tpu.memory_space<semaphore_mem>>)
      %dma_wait3A = tpu.memref_slice %arg3[%add3A_46] : memref<327680xi32, #tpu.memory_space<hbm>> -> memref<128xi32, #tpu.memory_space<hbm>>
      %dma_wait3A_61 = tpu.memref_slice %arg3[%add3A_46] : memref<327680xi32, #tpu.memory_space<hbm>> -> memref<128xi32, #tpu.memory_space<hbm>>
      tpu.wait_dma2 semaphore(%run_scoped3A : memref<!tpu.dma_semaphore, #tpu.memory_space<semaphore_mem>>) src(%dma_wait3A_61 : memref<128xi32, #tpu.memory_space<hbm>>) dst(%arg9 : memref<128xi32, #tpu.memory_space<vmem>>)
      tpu.yield
    }) : () -> ()
    %add3A_47 = arith.constant 128 : i32
    %add3A_48 = arith.addi %mul3A_42, %add3A_47 : i32
    "tpu.region"() ({
      %run_scoped3A = tpu.sem_alloc : memref<!tpu.dma_semaphore, #tpu.memory_space<semaphore_mem>>
      %dma_start3A_59 = tpu.memref_slice %arg4[%add3A_48] : memref<327680xi32, #tpu.memory_space<hbm>> -> memref<128xi32, #tpu.memory_space<hbm>>
      %dma_start3A_60 = tpu.memref_slice %arg4[%add3A_48] : memref<327680xi32, #tpu.memory_space<hbm>> -> memref<128xi32, #tpu.memory_space<hbm>>
      tpu.enqueue_dma source(%dma_start3A_60 : memref<128xi32, #tpu.memory_space<hbm>>) target(%arg10 : memref<128xi32, #tpu.memory_space<vmem>>) target_semaphore(%run_scoped3A : memref<!tpu.dma_semaphore, #tpu.memory_space<semaphore_mem>>)
      %dma_wait3A = tpu.memref_slice %arg4[%add3A_48] : memref<327680xi32, #tpu.memory_space<hbm>> -> memref<128xi32, #tpu.memory_space<hbm>>
      %dma_wait3A_61 = tpu.memref_slice %arg4[%add3A_48] : memref<327680xi32, #tpu.memory_space<hbm>> -> memref<128xi32, #tpu.memory_space<hbm>>
      tpu.wait_dma2 semaphore(%run_scoped3A : memref<!tpu.dma_semaphore, #tpu.memory_space<semaphore_mem>>) src(%dma_wait3A_61 : memref<128xi32, #tpu.memory_space<hbm>>) dst(%arg10 : memref<128xi32, #tpu.memory_space<vmem>>)
      tpu.yield
    }) : () -> ()
    %dma_start3A_49 = arith.constant 0 : i32
    %dma_start3A_50 = arith.constant 0 : i32
    %dma_start3A_51 = tpu.memref_slice %arg2[%dma_start3A_49, %dma_start3A_50] : memref<10112x128xf32, #tpu.memory_space<hbm>> -> memref<10112x128xf32, #tpu.memory_space<hbm>>
    tpu.enqueue_indirect_dma source(%dma_start3A_51 : memref<10112x128xf32, #tpu.memory_space<hbm>>) target(%arg12 : memref<128x128xf32, #tpu.memory_space<vmem>>) offsets(%arg9 : memref<128xi32, #tpu.memory_space<vmem>>) semaphore(%arg19 : memref<!tpu.dma_semaphore, #tpu.memory_space<semaphore_mem>>)
    %scan3A_52 = arith.constant 0 : i32
    %scan3A_53 = arith.constant 0 : i32
    %scan3A_54 = arith.constant 40 : i32
    %scan3A_55 = arith.addi %scan3A_53, %scan3A_54 : i32
    %scan3A_56 = arith.constant 1 : i32
    scf.for %scan3A_59 = %scan3A_53 to %scan3A_55 step %scan3A_56  : i32 {
      %mul3A_60 = arith.constant 2 : i32
      %mul3A_61 = arith.muli %mul3A_60, %scan3A_59 : i32
      %dma_wait3A = arith.constant 0 : i32
      %dma_wait3A_62 = arith.constant 0 : i32
      %dma_wait3A_63 = tpu.memref_slice %arg2[%dma_wait3A, %dma_wait3A_62] : memref<10112x128xf32, #tpu.memory_space<hbm>> -> memref<10112x128xf32, #tpu.memory_space<hbm>>
      tpu.wait_indirect_dma semaphore(%arg18 : memref<!tpu.dma_semaphore, #tpu.memory_space<semaphore_mem>>) src(%dma_wait3A_63 : memref<10112x128xf32, #tpu.memory_space<hbm>>) dst(%arg11 : memref<128x128xf32, #tpu.memory_space<vmem>>)
      %dma_start3A_64 = arith.constant 0 : i32
      %dma_start3A_65 = tpu.memref_slice %arg17[%dma_start3A_64] : memref<10240xf32, #tpu.memory_space<vmem_shared>> -> memref<10240xf32, #tpu.memory_space<vmem_shared>>
      tpu.enqueue_indirect_dma source(%arg13 : memref<128xf32, #tpu.memory_space<vmem>>) target(%dma_start3A_65 : memref<10240xf32, #tpu.memory_space<vmem_shared>>) offsets(%arg8 : memref<128xi32, #tpu.memory_space<vmem>>) semaphore(%arg21 : memref<!tpu.dma_semaphore, #tpu.memory_space<semaphore_mem>>) {add = true}
      %dma_start3A_66 = arith.constant 0 : i32
      %dma_start3A_67 = arith.constant 0 : i32
      %dma_start3A_68 = tpu.memref_slice %arg16[%dma_start3A_66, %dma_start3A_67] : memref<10112x128xf32, #tpu.memory_space<vmem_shared>> -> memref<10112x128xf32, #tpu.memory_space<vmem_shared>>
      tpu.enqueue_indirect_dma source(%arg11 : memref<128x128xf32, #tpu.memory_space<vmem>>) target(%dma_start3A_68 : memref<10112x128xf32, #tpu.memory_space<vmem_shared>>) offsets(%arg8 : memref<128xi32, #tpu.memory_space<vmem>>) semaphore(%arg20 : memref<!tpu.dma_semaphore, #tpu.memory_space<semaphore_mem>>) {add = true}
      %add3A_69 = arith.constant 2 : i32
      %add3A_70 = arith.addi %mul3A_61, %add3A_69 : i32
      %lt3A = arith.constant 80 : i32
      %lt3A_71 = arith.cmpi slt, %add3A_70, %lt3A : i32
      %convert_element_type3A = arith.extui %lt3A_71 : i1 to i32
      %cond3A = arith.constant 0 : i32
      %cond3A_72 = arith.cmpi ne, %convert_element_type3A, %cond3A : i32
      scf.if %cond3A_72 {
        %add3A_112 = arith.constant 2 : i32
        %add3A_113 = arith.addi %mul3A_61, %add3A_112 : i32
        %mul3A_114 = arith.constant 128 : i32
        %mul3A_115 = arith.muli %add3A_113, %mul3A_114 : i32
        %add3A_116 = arith.addi %mul3A_42, %mul3A_115 : i32
        "tpu.region"() ({
          %run_scoped3A = tpu.sem_alloc : memref<!tpu.dma_semaphore, #tpu.memory_space<semaphore_mem>>
          %dma_start3A_117 = tpu.memref_slice %arg3[%add3A_116] : memref<327680xi32, #tpu.memory_space<hbm>> -> memref<128xi32, #tpu.memory_space<hbm>>
          %dma_start3A_118 = tpu.memref_slice %arg3[%add3A_116] : memref<327680xi32, #tpu.memory_space<hbm>> -> memref<128xi32, #tpu.memory_space<hbm>>
          tpu.enqueue_dma source(%dma_start3A_118 : memref<128xi32, #tpu.memory_space<hbm>>) target(%arg7 : memref<128xi32, #tpu.memory_space<vmem>>) target_semaphore(%run_scoped3A : memref<!tpu.dma_semaphore, #tpu.memory_space<semaphore_mem>>)
          %dma_wait3A_119 = tpu.memref_slice %arg3[%add3A_116] : memref<327680xi32, #tpu.memory_space<hbm>> -> memref<128xi32, #tpu.memory_space<hbm>>
          %dma_wait3A_120 = tpu.memref_slice %arg3[%add3A_116] : memref<327680xi32, #tpu.memory_space<hbm>> -> memref<128xi32, #tpu.memory_space<hbm>>
          tpu.wait_dma2 semaphore(%run_scoped3A : memref<!tpu.dma_semaphore, #tpu.memory_space<semaphore_mem>>) src(%dma_wait3A_120 : memref<128xi32, #tpu.memory_space<hbm>>) dst(%arg7 : memref<128xi32, #tpu.memory_space<vmem>>)
          tpu.yield
        }) : () -> ()
      } else {
      }
      %dma_wait3A_73 = arith.constant 0 : i32
      %dma_wait3A_74 = arith.constant 0 : i32
      %dma_wait3A_75 = tpu.memref_slice %arg16[%dma_wait3A_73, %dma_wait3A_74] : memref<10112x128xf32, #tpu.memory_space<vmem_shared>> -> memref<10112x128xf32, #tpu.memory_space<vmem_shared>>
      tpu.wait_indirect_dma semaphore(%arg20 : memref<!tpu.dma_semaphore, #tpu.memory_space<semaphore_mem>>) src(%arg11 : memref<128x128xf32, #tpu.memory_space<vmem>>) dst(%dma_wait3A_75 : memref<10112x128xf32, #tpu.memory_space<vmem_shared>>)
      %dma_wait3A_76 = arith.constant 0 : i32
      %dma_wait3A_77 = tpu.memref_slice %arg17[%dma_wait3A_76] : memref<10240xf32, #tpu.memory_space<vmem_shared>> -> memref<10240xf32, #tpu.memory_space<vmem_shared>>
      tpu.wait_indirect_dma semaphore(%arg21 : memref<!tpu.dma_semaphore, #tpu.memory_space<semaphore_mem>>) src(%arg13 : memref<128xf32, #tpu.memory_space<vmem>>) dst(%dma_wait3A_77 : memref<10240xf32, #tpu.memory_space<vmem_shared>>)
      %add3A_78 = arith.constant 2 : i32
      %add3A_79 = arith.addi %mul3A_61, %add3A_78 : i32
      %lt3A_80 = arith.constant 80 : i32
      %lt3A_81 = arith.cmpi slt, %add3A_79, %lt3A_80 : i32
      %convert_element_type3A_82 = arith.extui %lt3A_81 : i1 to i32
      %cond3A_83 = arith.constant 0 : i32
      %cond3A_84 = arith.cmpi ne, %convert_element_type3A_82, %cond3A_83 : i32
      scf.if %cond3A_84 {
        %add3A_112 = arith.constant 2 : i32
        %add3A_113 = arith.addi %mul3A_61, %add3A_112 : i32
        %mul3A_114 = arith.constant 128 : i32
        %mul3A_115 = arith.muli %add3A_113, %mul3A_114 : i32
        %add3A_116 = arith.addi %mul3A_42, %mul3A_115 : i32
        "tpu.region"() ({
          %run_scoped3A = tpu.sem_alloc : memref<!tpu.dma_semaphore, #tpu.memory_space<semaphore_mem>>
          %dma_start3A_120 = tpu.memref_slice %arg4[%add3A_116] : memref<327680xi32, #tpu.memory_space<hbm>> -> memref<128xi32, #tpu.memory_space<hbm>>
          %dma_start3A_121 = tpu.memref_slice %arg4[%add3A_116] : memref<327680xi32, #tpu.memory_space<hbm>> -> memref<128xi32, #tpu.memory_space<hbm>>
          tpu.enqueue_dma source(%dma_start3A_121 : memref<128xi32, #tpu.memory_space<hbm>>) target(%arg8 : memref<128xi32, #tpu.memory_space<vmem>>) target_semaphore(%run_scoped3A : memref<!tpu.dma_semaphore, #tpu.memory_space<semaphore_mem>>)
          %dma_wait3A_122 = tpu.memref_slice %arg4[%add3A_116] : memref<327680xi32, #tpu.memory_space<hbm>> -> memref<128xi32, #tpu.memory_space<hbm>>
          %dma_wait3A_123 = tpu.memref_slice %arg4[%add3A_116] : memref<327680xi32, #tpu.memory_space<hbm>> -> memref<128xi32, #tpu.memory_space<hbm>>
          tpu.wait_dma2 semaphore(%run_scoped3A : memref<!tpu.dma_semaphore, #tpu.memory_space<semaphore_mem>>) src(%dma_wait3A_123 : memref<128xi32, #tpu.memory_space<hbm>>) dst(%arg8 : memref<128xi32, #tpu.memory_space<vmem>>)
          tpu.yield
        }) : () -> ()
        %dma_start3A_117 = arith.constant 0 : i32
        %dma_start3A_118 = arith.constant 0 : i32
        %dma_start3A_119 = tpu.memref_slice %arg2[%dma_start3A_117, %dma_start3A_118] : memref<10112x128xf32, #tpu.memory_space<hbm>> -> memref<10112x128xf32, #tpu.memory_space<hbm>>
        tpu.enqueue_indirect_dma source(%dma_start3A_119 : memref<10112x128xf32, #tpu.memory_space<hbm>>) target(%arg11 : memref<128x128xf32, #tpu.memory_space<vmem>>) offsets(%arg7 : memref<128xi32, #tpu.memory_space<vmem>>) semaphore(%arg18 : memref<!tpu.dma_semaphore, #tpu.memory_space<semaphore_mem>>)
      } else {
      }
      %dma_wait3A_85 = arith.constant 0 : i32
      %dma_wait3A_86 = arith.constant 0 : i32
      %dma_wait3A_87 = tpu.memref_slice %arg2[%dma_wait3A_85, %dma_wait3A_86] : memref<10112x128xf32, #tpu.memory_space<hbm>> -> memref<10112x128xf32, #tpu.memory_space<hbm>>
      tpu.wait_indirect_dma semaphore(%arg19 : memref<!tpu.dma_semaphore, #tpu.memory_space<semaphore_mem>>) src(%dma_wait3A_87 : memref<10112x128xf32, #tpu.memory_space<hbm>>) dst(%arg12 : memref<128x128xf32, #tpu.memory_space<vmem>>)
      %dma_start3A_88 = arith.constant 0 : i32
      %dma_start3A_89 = tpu.memref_slice %arg17[%dma_start3A_88] : memref<10240xf32, #tpu.memory_space<vmem_shared>> -> memref<10240xf32, #tpu.memory_space<vmem_shared>>
      tpu.enqueue_indirect_dma source(%arg13 : memref<128xf32, #tpu.memory_space<vmem>>) target(%dma_start3A_89 : memref<10240xf32, #tpu.memory_space<vmem_shared>>) offsets(%arg10 : memref<128xi32, #tpu.memory_space<vmem>>) semaphore(%arg21 : memref<!tpu.dma_semaphore, #tpu.memory_space<semaphore_mem>>) {add = true}
      %dma_start3A_90 = arith.constant 0 : i32
      %dma_start3A_91 = arith.constant 0 : i32
      %dma_start3A_92 = tpu.memref_slice %arg16[%dma_start3A_90, %dma_start3A_91] : memref<10112x128xf32, #tpu.memory_space<vmem_shared>> -> memref<10112x128xf32, #tpu.memory_space<vmem_shared>>
      tpu.enqueue_indirect_dma source(%arg12 : memref<128x128xf32, #tpu.memory_space<vmem>>) target(%dma_start3A_92 : memref<10112x128xf32, #tpu.memory_space<vmem_shared>>) offsets(%arg10 : memref<128xi32, #tpu.memory_space<vmem>>) semaphore(%arg20 : memref<!tpu.dma_semaphore, #tpu.memory_space<semaphore_mem>>) {add = true}
      %add3A_93 = arith.constant 3 : i32
      %add3A_94 = arith.addi %mul3A_61, %add3A_93 : i32
      %lt3A_95 = arith.constant 80 : i32
      %lt3A_96 = arith.cmpi slt, %add3A_94, %lt3A_95 : i32
      %convert_element_type3A_97 = arith.extui %lt3A_96 : i1 to i32
      %cond3A_98 = arith.constant 0 : i32
      %cond3A_99 = arith.cmpi ne, %convert_element_type3A_97, %cond3A_98 : i32
      scf.if %cond3A_99 {
        %add3A_112 = arith.constant 3 : i32
        %add3A_113 = arith.addi %mul3A_61, %add3A_112 : i32
        %mul3A_114 = arith.constant 128 : i32
        %mul3A_115 = arith.muli %add3A_113, %mul3A_114 : i32
        %add3A_116 = arith.addi %mul3A_42, %mul3A_115 : i32
        "tpu.region"() ({
          %run_scoped3A = tpu.sem_alloc : memref<!tpu.dma_semaphore, #tpu.memory_space<semaphore_mem>>
          %dma_start3A_117 = tpu.memref_slice %arg3[%add3A_116] : memref<327680xi32, #tpu.memory_space<hbm>> -> memref<128xi32, #tpu.memory_space<hbm>>
          %dma_start3A_118 = tpu.memref_slice %arg3[%add3A_116] : memref<327680xi32, #tpu.memory_space<hbm>> -> memref<128xi32, #tpu.memory_space<hbm>>
          tpu.enqueue_dma source(%dma_start3A_118 : memref<128xi32, #tpu.memory_space<hbm>>) target(%arg9 : memref<128xi32, #tpu.memory_space<vmem>>) target_semaphore(%run_scoped3A : memref<!tpu.dma_semaphore, #tpu.memory_space<semaphore_mem>>)
          %dma_wait3A_119 = tpu.memref_slice %arg3[%add3A_116] : memref<327680xi32, #tpu.memory_space<hbm>> -> memref<128xi32, #tpu.memory_space<hbm>>
          %dma_wait3A_120 = tpu.memref_slice %arg3[%add3A_116] : memref<327680xi32, #tpu.memory_space<hbm>> -> memref<128xi32, #tpu.memory_space<hbm>>
          tpu.wait_dma2 semaphore(%run_scoped3A : memref<!tpu.dma_semaphore, #tpu.memory_space<semaphore_mem>>) src(%dma_wait3A_120 : memref<128xi32, #tpu.memory_space<hbm>>) dst(%arg9 : memref<128xi32, #tpu.memory_space<vmem>>)
          tpu.yield
        }) : () -> ()
      } else {
      }
      %dma_wait3A_100 = arith.constant 0 : i32
      %dma_wait3A_101 = arith.constant 0 : i32
      %dma_wait3A_102 = tpu.memref_slice %arg16[%dma_wait3A_100, %dma_wait3A_101] : memref<10112x128xf32, #tpu.memory_space<vmem_shared>> -> memref<10112x128xf32, #tpu.memory_space<vmem_shared>>
      tpu.wait_indirect_dma semaphore(%arg20 : memref<!tpu.dma_semaphore, #tpu.memory_space<semaphore_mem>>) src(%arg12 : memref<128x128xf32, #tpu.memory_space<vmem>>) dst(%dma_wait3A_102 : memref<10112x128xf32, #tpu.memory_space<vmem_shared>>)
      %dma_wait3A_103 = arith.constant 0 : i32
      %dma_wait3A_104 = tpu.memref_slice %arg17[%dma_wait3A_103] : memref<10240xf32, #tpu.memory_space<vmem_shared>> -> memref<10240xf32, #tpu.memory_space<vmem_shared>>
      tpu.wait_indirect_dma semaphore(%arg21 : memref<!tpu.dma_semaphore, #tpu.memory_space<semaphore_mem>>) src(%arg13 : memref<128xf32, #tpu.memory_space<vmem>>) dst(%dma_wait3A_104 : memref<10240xf32, #tpu.memory_space<vmem_shared>>)
      %add3A_105 = arith.constant 3 : i32
      %add3A_106 = arith.addi %mul3A_61, %add3A_105 : i32
      %lt3A_107 = arith.constant 80 : i32
      %lt3A_108 = arith.cmpi slt, %add3A_106, %lt3A_107 : i32
      %convert_element_type3A_109 = arith.extui %lt3A_108 : i1 to i32
      %cond3A_110 = arith.constant 0 : i32
      %cond3A_111 = arith.cmpi ne, %convert_element_type3A_109, %cond3A_110 : i32
      scf.if %cond3A_111 {
        %add3A_112 = arith.constant 3 : i32
        %add3A_113 = arith.addi %mul3A_61, %add3A_112 : i32
        %mul3A_114 = arith.constant 128 : i32
        %mul3A_115 = arith.muli %add3A_113, %mul3A_114 : i32
        %add3A_116 = arith.addi %mul3A_42, %mul3A_115 : i32
        "tpu.region"() ({
          %run_scoped3A = tpu.sem_alloc : memref<!tpu.dma_semaphore, #tpu.memory_space<semaphore_mem>>
          %dma_start3A_120 = tpu.memref_slice %arg4[%add3A_116] : memref<327680xi32, #tpu.memory_space<hbm>> -> memref<128xi32, #tpu.memory_space<hbm>>
          %dma_start3A_121 = tpu.memref_slice %arg4[%add3A_116] : memref<327680xi32, #tpu.memory_space<hbm>> -> memref<128xi32, #tpu.memory_space<hbm>>
          tpu.enqueue_dma source(%dma_start3A_121 : memref<128xi32, #tpu.memory_space<hbm>>) target(%arg10 : memref<128xi32, #tpu.memory_space<vmem>>) target_semaphore(%run_scoped3A : memref<!tpu.dma_semaphore, #tpu.memory_space<semaphore_mem>>)
          %dma_wait3A_122 = tpu.memref_slice %arg4[%add3A_116] : memref<327680xi32, #tpu.memory_space<hbm>> -> memref<128xi32, #tpu.memory_space<hbm>>
          %dma_wait3A_123 = tpu.memref_slice %arg4[%add3A_116] : memref<327680xi32, #tpu.memory_space<hbm>> -> memref<128xi32, #tpu.memory_space<hbm>>
          tpu.wait_dma2 semaphore(%run_scoped3A : memref<!tpu.dma_semaphore, #tpu.memory_space<semaphore_mem>>) src(%dma_wait3A_123 : memref<128xi32, #tpu.memory_space<hbm>>) dst(%arg10 : memref<128xi32, #tpu.memory_space<vmem>>)
          tpu.yield
        }) : () -> ()
        %dma_start3A_117 = arith.constant 0 : i32
        %dma_start3A_118 = arith.constant 0 : i32
        %dma_start3A_119 = tpu.memref_slice %arg2[%dma_start3A_117, %dma_start3A_118] : memref<10112x128xf32, #tpu.memory_space<hbm>> -> memref<10112x128xf32, #tpu.memory_space<hbm>>
        tpu.enqueue_indirect_dma source(%dma_start3A_119 : memref<10112x128xf32, #tpu.memory_space<hbm>>) target(%arg12 : memref<128x128xf32, #tpu.memory_space<vmem>>) offsets(%arg9 : memref<128xi32, #tpu.memory_space<vmem>>) semaphore(%arg19 : memref<!tpu.dma_semaphore, #tpu.memory_space<semaphore_mem>>)
      } else {
      }
    }
    %scan3A_57 = arith.constant 40 : i32
    %barrier3A_58 = arith.constant 0 : index
    tpu.barrier barrier_id(%barrier3A_58)
    "tpu.region"() ({
      %run_scoped3A = tpu.sem_alloc : memref<!tpu.dma_semaphore, #tpu.memory_space<semaphore_mem>>
      %dma_start3A_59 = arith.constant 0 : i32
      %dma_start3A_60 = tpu.memref_slice %arg5[%arg0, %mul3A_22, %dma_start3A_59] : memref<2x10112x128xf32, #tpu.memory_space<hbm>> -> memref<1x632x128xf32, #tpu.memory_space<hbm>>
      %dma_start3A_61 = tpu.memref_squeeze %dma_start3A_60 : memref<1x632x128xf32, #tpu.memory_space<hbm>> -> memref<632x128xf32, #tpu.memory_space<hbm>>
      %dma_start3A_62 = arith.constant 0 : i32
      %dma_start3A_63 = tpu.memref_slice %arg16[%mul3A_22, %dma_start3A_62] : memref<10112x128xf32, #tpu.memory_space<vmem_shared>> -> memref<632x128xf32, #tpu.memory_space<vmem_shared>>
      tpu.enqueue_dma source(%dma_start3A_63 : memref<632x128xf32, #tpu.memory_space<vmem_shared>>) target(%dma_start3A_61 : memref<632x128xf32, #tpu.memory_space<hbm>>) target_semaphore(%run_scoped3A : memref<!tpu.dma_semaphore, #tpu.memory_space<semaphore_mem>>)
      %dma_wait3A = arith.constant 0 : i32
      %dma_wait3A_64 = tpu.memref_slice %arg5[%arg0, %mul3A_22, %dma_wait3A] : memref<2x10112x128xf32, #tpu.memory_space<hbm>> -> memref<1x632x128xf32, #tpu.memory_space<hbm>>
      %dma_wait3A_65 = tpu.memref_squeeze %dma_wait3A_64 : memref<1x632x128xf32, #tpu.memory_space<hbm>> -> memref<632x128xf32, #tpu.memory_space<hbm>>
      %dma_wait3A_66 = arith.constant 0 : i32
      %dma_wait3A_67 = tpu.memref_slice %arg16[%mul3A_22, %dma_wait3A_66] : memref<10112x128xf32, #tpu.memory_space<vmem_shared>> -> memref<632x128xf32, #tpu.memory_space<vmem_shared>>
      tpu.wait_dma2 semaphore(%run_scoped3A : memref<!tpu.dma_semaphore, #tpu.memory_space<semaphore_mem>>) src(%dma_wait3A_67 : memref<632x128xf32, #tpu.memory_space<vmem_shared>>) dst(%dma_wait3A_65 : memref<632x128xf32, #tpu.memory_space<hbm>>)
      tpu.yield
    }) : () -> ()
    "tpu.region"() ({
      %run_scoped3A = tpu.sem_alloc : memref<!tpu.dma_semaphore, #tpu.memory_space<semaphore_mem>>
      %dma_start3A_59 = tpu.memref_slice %arg6[%arg0, %mul3A_40] : memref<2x10240xf32, #tpu.memory_space<hbm>> -> memref<1x640xf32, #tpu.memory_space<hbm>>
      %dma_start3A_60 = tpu.memref_squeeze %dma_start3A_59 : memref<1x640xf32, #tpu.memory_space<hbm>> -> memref<640xf32, #tpu.memory_space<hbm>>
      %dma_start3A_61 = tpu.memref_slice %arg17[%mul3A_40] : memref<10240xf32, #tpu.memory_space<vmem_shared>> -> memref<640xf32, #tpu.memory_space<vmem_shared>>
      tpu.enqueue_dma source(%dma_start3A_61 : memref<640xf32, #tpu.memory_space<vmem_shared>>) target(%dma_start3A_60 : memref<640xf32, #tpu.memory_space<hbm>>) target_semaphore(%run_scoped3A : memref<!tpu.dma_semaphore, #tpu.memory_space<semaphore_mem>>)
      %dma_wait3A = tpu.memref_slice %arg6[%arg0, %mul3A_40] : memref<2x10240xf32, #tpu.memory_space<hbm>> -> memref<1x640xf32, #tpu.memory_space<hbm>>
      %dma_wait3A_62 = tpu.memref_squeeze %dma_wait3A : memref<1x640xf32, #tpu.memory_space<hbm>> -> memref<640xf32, #tpu.memory_space<hbm>>
      %dma_wait3A_63 = tpu.memref_slice %arg17[%mul3A_40] : memref<10240xf32, #tpu.memory_space<vmem_shared>> -> memref<640xf32, #tpu.memory_space<vmem_shared>>
      tpu.wait_dma2 semaphore(%run_scoped3A : memref<!tpu.dma_semaphore, #tpu.memory_space<semaphore_mem>>) src(%dma_wait3A_63 : memref<640xf32, #tpu.memory_space<vmem_shared>>) dst(%dma_wait3A_62 : memref<640xf32, #tpu.memory_space<hbm>>)
      tpu.yield
    }) : () -> ()
    return
  }
}

#map = affine_map<(d0, d1) -> (0, 0)>
#map1 = affine_map<(d0, d1) -> (0)>
#map2 = affine_map<(d0, d1) -> (0, 0, 0)>
module attributes {stable_mosaic.version = 14 : i64} {
  func.func @_sc_agg_body(%arg0: i32, %arg1: i32, %arg2: memref<10112x128xf32, #tpu.memory_space<hbm>>, %arg3: memref<327680xi32, #tpu.memory_space<hbm>>, %arg4: memref<327680xi32, #tpu.memory_space<hbm>>, %arg5: memref<2x10112x128xf32, #tpu.memory_space<hbm>>, %arg6: memref<128xi32, #tpu.memory_space<vmem>>, %arg7: memref<128xi32, #tpu.memory_space<vmem>>, %arg8: memref<128xi32, #tpu.memory_space<vmem>>, %arg9: memref<128xi32, #tpu.memory_space<vmem>>, %arg10: memref<128x128xf32, #tpu.memory_space<vmem>>, %arg11: memref<128x128xf32, #tpu.memory_space<vmem>>, %arg12: memref<79x128xf32, #tpu.memory_space<vmem>>, %arg13: memref<10112x128xf32, #tpu.memory_space<vmem_shared>>, %arg14: memref<!tpu.dma_semaphore, #tpu.memory_space<semaphore_mem>>, %arg15: memref<!tpu.dma_semaphore, #tpu.memory_space<semaphore_mem>>, %arg16: memref<!tpu.dma_semaphore, #tpu.memory_space<semaphore_mem>>) attributes {dimension_semantics = [#tpu.dimension_semantics<core_parallel>, #tpu.dimension_semantics<subcore_parallel>], iteration_bounds = array<i64: 2, 16>, scalar_prefetch = 0 : i64, scratch_operands = 11 : i64, tpu.core_type = #tpu.core_type<sc_vector_subcore>, window_params = [{transform_indices = #map}, {transform_indices = #map1}, {transform_indices = #map1}, {transform_indices = #map2}]} {
    %mul3A = arith.constant 16 : i32
    %mul3A_0 = arith.muli %arg0, %mul3A : i32
    %add3A = arith.addi %mul3A_0, %arg1 : i32
    %broadcast_in_dim3A = arith.constant 0.000000e+00 : f32
    %broadcast_in_dim3A_1 = vector.broadcast %broadcast_in_dim3A : f32 to vector<16xf32>
    %scan3A = arith.constant 0 : i32
    %scan3A_2 = arith.constant 0 : i32
    %scan3A_3 = arith.constant 79 : i32
    %scan3A_4 = arith.addi %scan3A_2, %scan3A_3 : i32
    %scan3A_5 = arith.constant 1 : i32
    scf.for %scan3A_45 = %scan3A_2 to %scan3A_4 step %scan3A_5  : i32 {
      %swap3A = arith.index_cast %scan3A_45 : i32 to index
      %swap3A_46 = arith.constant 0 : index
      %swap3A_47 = tpu.vector_load %arg12[%swap3A, %swap3A_46] {strides = array<i32>} : memref<79x128xf32, #tpu.memory_space<vmem>>, vector<1x16xf32>,
      %swap3A_48 = vector.shape_cast %swap3A_47 : vector<1x16xf32> to vector<16xf32>
      %swap3A_49 = vector.shape_cast %broadcast_in_dim3A_1 : vector<16xf32> to vector<1x16xf32>
      tpu.vector_store %arg12[%swap3A, %swap3A_46], %swap3A_49 {strides = array<i32>} : memref<79x128xf32, #tpu.memory_space<vmem>>, vector<1x16xf32>,
      %swap3A_50 = arith.index_cast %scan3A_45 : i32 to index
      %swap3A_51 = arith.constant 16 : index
      %swap3A_52 = tpu.vector_load %arg12[%swap3A_50, %swap3A_51] {strides = array<i32>} : memref<79x128xf32, #tpu.memory_space<vmem>>, vector<1x16xf32>,
      %swap3A_53 = vector.shape_cast %swap3A_52 : vector<1x16xf32> to vector<16xf32>
      %swap3A_54 = vector.shape_cast %broadcast_in_dim3A_1 : vector<16xf32> to vector<1x16xf32>
      tpu.vector_store %arg12[%swap3A_50, %swap3A_51], %swap3A_54 {strides = array<i32>} : memref<79x128xf32, #tpu.memory_space<vmem>>, vector<1x16xf32>,
      %swap3A_55 = arith.index_cast %scan3A_45 : i32 to index
      %swap3A_56 = arith.constant 32 : index
      %swap3A_57 = tpu.vector_load %arg12[%swap3A_55, %swap3A_56] {strides = array<i32>} : memref<79x128xf32, #tpu.memory_space<vmem>>, vector<1x16xf32>,
      %swap3A_58 = vector.shape_cast %swap3A_57 : vector<1x16xf32> to vector<16xf32>
      %swap3A_59 = vector.shape_cast %broadcast_in_dim3A_1 : vector<16xf32> to vector<1x16xf32>
      tpu.vector_store %arg12[%swap3A_55, %swap3A_56], %swap3A_59 {strides = array<i32>} : memref<79x128xf32, #tpu.memory_space<vmem>>, vector<1x16xf32>,
      %swap3A_60 = arith.index_cast %scan3A_45 : i32 to index
      %swap3A_61 = arith.constant 48 : index
      %swap3A_62 = tpu.vector_load %arg12[%swap3A_60, %swap3A_61] {strides = array<i32>} : memref<79x128xf32, #tpu.memory_space<vmem>>, vector<1x16xf32>,
      %swap3A_63 = vector.shape_cast %swap3A_62 : vector<1x16xf32> to vector<16xf32>
      %swap3A_64 = vector.shape_cast %broadcast_in_dim3A_1 : vector<16xf32> to vector<1x16xf32>
      tpu.vector_store %arg12[%swap3A_60, %swap3A_61], %swap3A_64 {strides = array<i32>} : memref<79x128xf32, #tpu.memory_space<vmem>>, vector<1x16xf32>,
      %swap3A_65 = arith.index_cast %scan3A_45 : i32 to index
      %swap3A_66 = arith.constant 64 : index
      %swap3A_67 = tpu.vector_load %arg12[%swap3A_65, %swap3A_66] {strides = array<i32>} : memref<79x128xf32, #tpu.memory_space<vmem>>, vector<1x16xf32>,
      %swap3A_68 = vector.shape_cast %swap3A_67 : vector<1x16xf32> to vector<16xf32>
      %swap3A_69 = vector.shape_cast %broadcast_in_dim3A_1 : vector<16xf32> to vector<1x16xf32>
      tpu.vector_store %arg12[%swap3A_65, %swap3A_66], %swap3A_69 {strides = array<i32>} : memref<79x128xf32, #tpu.memory_space<vmem>>, vector<1x16xf32>,
      %swap3A_70 = arith.index_cast %scan3A_45 : i32 to index
      %swap3A_71 = arith.constant 80 : index
      %swap3A_72 = tpu.vector_load %arg12[%swap3A_70, %swap3A_71] {strides = array<i32>} : memref<79x128xf32, #tpu.memory_space<vmem>>, vector<1x16xf32>,
      %swap3A_73 = vector.shape_cast %swap3A_72 : vector<1x16xf32> to vector<16xf32>
      %swap3A_74 = vector.shape_cast %broadcast_in_dim3A_1 : vector<16xf32> to vector<1x16xf32>
      tpu.vector_store %arg12[%swap3A_70, %swap3A_71], %swap3A_74 {strides = array<i32>} : memref<79x128xf32, #tpu.memory_space<vmem>>, vector<1x16xf32>,
      %swap3A_75 = arith.index_cast %scan3A_45 : i32 to index
      %swap3A_76 = arith.constant 96 : index
      %swap3A_77 = tpu.vector_load %arg12[%swap3A_75, %swap3A_76] {strides = array<i32>} : memref<79x128xf32, #tpu.memory_space<vmem>>, vector<1x16xf32>,
      %swap3A_78 = vector.shape_cast %swap3A_77 : vector<1x16xf32> to vector<16xf32>
      %swap3A_79 = vector.shape_cast %broadcast_in_dim3A_1 : vector<16xf32> to vector<1x16xf32>
      tpu.vector_store %arg12[%swap3A_75, %swap3A_76], %swap3A_79 {strides = array<i32>} : memref<79x128xf32, #tpu.memory_space<vmem>>, vector<1x16xf32>,
      %swap3A_80 = arith.index_cast %scan3A_45 : i32 to index
      %swap3A_81 = arith.constant 112 : index
      %swap3A_82 = tpu.vector_load %arg12[%swap3A_80, %swap3A_81] {strides = array<i32>} : memref<79x128xf32, #tpu.memory_space<vmem>>, vector<1x16xf32>,
      %swap3A_83 = vector.shape_cast %swap3A_82 : vector<1x16xf32> to vector<16xf32>
      %swap3A_84 = vector.shape_cast %broadcast_in_dim3A_1 : vector<16xf32> to vector<1x16xf32>
      tpu.vector_store %arg12[%swap3A_80, %swap3A_81], %swap3A_84 {strides = array<i32>} : memref<79x128xf32, #tpu.memory_space<vmem>>, vector<1x16xf32>,
    }
    %scan3A_6 = arith.constant 79 : i32
    %mul3A_7 = arith.constant 632 : i32
    %mul3A_8 = arith.muli %arg1, %mul3A_7 : i32
    %add3A_9 = arith.constant 0 : i32
    %add3A_10 = arith.addi %mul3A_8, %add3A_9 : i32
    "tpu.region"() ({
      %run_scoped3A = tpu.sem_alloc : memref<!tpu.dma_semaphore, #tpu.memory_space<semaphore_mem>>
      %dma_start3A_45 = arith.constant 0 : i32
      %dma_start3A_46 = tpu.memref_slice %arg13[%add3A_10, %dma_start3A_45] : memref<10112x128xf32, #tpu.memory_space<vmem_shared>> -> memref<79x128xf32, #tpu.memory_space<vmem_shared>>
      %dma_start3A_47 = arith.constant 0 : i32
      %dma_start3A_48 = tpu.memref_slice %arg13[%add3A_10, %dma_start3A_47] : memref<10112x128xf32, #tpu.memory_space<vmem_shared>> -> memref<79x128xf32, #tpu.memory_space<vmem_shared>>
      tpu.enqueue_dma source(%arg12 : memref<79x128xf32, #tpu.memory_space<vmem>>) target(%dma_start3A_48 : memref<79x128xf32, #tpu.memory_space<vmem_shared>>) target_semaphore(%run_scoped3A : memref<!tpu.dma_semaphore, #tpu.memory_space<semaphore_mem>>)
      %dma_wait3A = arith.constant 0 : i32
      %dma_wait3A_49 = tpu.memref_slice %arg13[%add3A_10, %dma_wait3A] : memref<10112x128xf32, #tpu.memory_space<vmem_shared>> -> memref<79x128xf32, #tpu.memory_space<vmem_shared>>
      %dma_wait3A_50 = arith.constant 0 : i32
      %dma_wait3A_51 = tpu.memref_slice %arg13[%add3A_10, %dma_wait3A_50] : memref<10112x128xf32, #tpu.memory_space<vmem_shared>> -> memref<79x128xf32, #tpu.memory_space<vmem_shared>>
      tpu.wait_dma2 semaphore(%run_scoped3A : memref<!tpu.dma_semaphore, #tpu.memory_space<semaphore_mem>>) src(%arg12 : memref<79x128xf32, #tpu.memory_space<vmem>>) dst(%dma_wait3A_51 : memref<79x128xf32, #tpu.memory_space<vmem_shared>>)
      tpu.yield
    }) : () -> ()
    %add3A_11 = arith.constant 79 : i32
    %add3A_12 = arith.addi %mul3A_8, %add3A_11 : i32
    "tpu.region"() ({
      %run_scoped3A = tpu.sem_alloc : memref<!tpu.dma_semaphore, #tpu.memory_space<semaphore_mem>>
      %dma_start3A_45 = arith.constant 0 : i32
      %dma_start3A_46 = tpu.memref_slice %arg13[%add3A_12, %dma_start3A_45] : memref<10112x128xf32, #tpu.memory_space<vmem_shared>> -> memref<79x128xf32, #tpu.memory_space<vmem_shared>>
      %dma_start3A_47 = arith.constant 0 : i32
      %dma_start3A_48 = tpu.memref_slice %arg13[%add3A_12, %dma_start3A_47] : memref<10112x128xf32, #tpu.memory_space<vmem_shared>> -> memref<79x128xf32, #tpu.memory_space<vmem_shared>>
      tpu.enqueue_dma source(%arg12 : memref<79x128xf32, #tpu.memory_space<vmem>>) target(%dma_start3A_48 : memref<79x128xf32, #tpu.memory_space<vmem_shared>>) target_semaphore(%run_scoped3A : memref<!tpu.dma_semaphore, #tpu.memory_space<semaphore_mem>>)
      %dma_wait3A = arith.constant 0 : i32
      %dma_wait3A_49 = tpu.memref_slice %arg13[%add3A_12, %dma_wait3A] : memref<10112x128xf32, #tpu.memory_space<vmem_shared>> -> memref<79x128xf32, #tpu.memory_space<vmem_shared>>
      %dma_wait3A_50 = arith.constant 0 : i32
      %dma_wait3A_51 = tpu.memref_slice %arg13[%add3A_12, %dma_wait3A_50] : memref<10112x128xf32, #tpu.memory_space<vmem_shared>> -> memref<79x128xf32, #tpu.memory_space<vmem_shared>>
      tpu.wait_dma2 semaphore(%run_scoped3A : memref<!tpu.dma_semaphore, #tpu.memory_space<semaphore_mem>>) src(%arg12 : memref<79x128xf32, #tpu.memory_space<vmem>>) dst(%dma_wait3A_51 : memref<79x128xf32, #tpu.memory_space<vmem_shared>>)
      tpu.yield
    }) : () -> ()
    %add3A_13 = arith.constant 158 : i32
    %add3A_14 = arith.addi %mul3A_8, %add3A_13 : i32
    "tpu.region"() ({
      %run_scoped3A = tpu.sem_alloc : memref<!tpu.dma_semaphore, #tpu.memory_space<semaphore_mem>>
      %dma_start3A_45 = arith.constant 0 : i32
      %dma_start3A_46 = tpu.memref_slice %arg13[%add3A_14, %dma_start3A_45] : memref<10112x128xf32, #tpu.memory_space<vmem_shared>> -> memref<79x128xf32, #tpu.memory_space<vmem_shared>>
      %dma_start3A_47 = arith.constant 0 : i32
      %dma_start3A_48 = tpu.memref_slice %arg13[%add3A_14, %dma_start3A_47] : memref<10112x128xf32, #tpu.memory_space<vmem_shared>> -> memref<79x128xf32, #tpu.memory_space<vmem_shared>>
      tpu.enqueue_dma source(%arg12 : memref<79x128xf32, #tpu.memory_space<vmem>>) target(%dma_start3A_48 : memref<79x128xf32, #tpu.memory_space<vmem_shared>>) target_semaphore(%run_scoped3A : memref<!tpu.dma_semaphore, #tpu.memory_space<semaphore_mem>>)
      %dma_wait3A = arith.constant 0 : i32
      %dma_wait3A_49 = tpu.memref_slice %arg13[%add3A_14, %dma_wait3A] : memref<10112x128xf32, #tpu.memory_space<vmem_shared>> -> memref<79x128xf32, #tpu.memory_space<vmem_shared>>
      %dma_wait3A_50 = arith.constant 0 : i32
      %dma_wait3A_51 = tpu.memref_slice %arg13[%add3A_14, %dma_wait3A_50] : memref<10112x128xf32, #tpu.memory_space<vmem_shared>> -> memref<79x128xf32, #tpu.memory_space<vmem_shared>>
      tpu.wait_dma2 semaphore(%run_scoped3A : memref<!tpu.dma_semaphore, #tpu.memory_space<semaphore_mem>>) src(%arg12 : memref<79x128xf32, #tpu.memory_space<vmem>>) dst(%dma_wait3A_51 : memref<79x128xf32, #tpu.memory_space<vmem_shared>>)
      tpu.yield
    }) : () -> ()
    %add3A_15 = arith.constant 237 : i32
    %add3A_16 = arith.addi %mul3A_8, %add3A_15 : i32
    "tpu.region"() ({
      %run_scoped3A = tpu.sem_alloc : memref<!tpu.dma_semaphore, #tpu.memory_space<semaphore_mem>>
      %dma_start3A_45 = arith.constant 0 : i32
      %dma_start3A_46 = tpu.memref_slice %arg13[%add3A_16, %dma_start3A_45] : memref<10112x128xf32, #tpu.memory_space<vmem_shared>> -> memref<79x128xf32, #tpu.memory_space<vmem_shared>>
      %dma_start3A_47 = arith.constant 0 : i32
      %dma_start3A_48 = tpu.memref_slice %arg13[%add3A_16, %dma_start3A_47] : memref<10112x128xf32, #tpu.memory_space<vmem_shared>> -> memref<79x128xf32, #tpu.memory_space<vmem_shared>>
      tpu.enqueue_dma source(%arg12 : memref<79x128xf32, #tpu.memory_space<vmem>>) target(%dma_start3A_48 : memref<79x128xf32, #tpu.memory_space<vmem_shared>>) target_semaphore(%run_scoped3A : memref<!tpu.dma_semaphore, #tpu.memory_space<semaphore_mem>>)
      %dma_wait3A = arith.constant 0 : i32
      %dma_wait3A_49 = tpu.memref_slice %arg13[%add3A_16, %dma_wait3A] : memref<10112x128xf32, #tpu.memory_space<vmem_shared>> -> memref<79x128xf32, #tpu.memory_space<vmem_shared>>
      %dma_wait3A_50 = arith.constant 0 : i32
      %dma_wait3A_51 = tpu.memref_slice %arg13[%add3A_16, %dma_wait3A_50] : memref<10112x128xf32, #tpu.memory_space<vmem_shared>> -> memref<79x128xf32, #tpu.memory_space<vmem_shared>>
      tpu.wait_dma2 semaphore(%run_scoped3A : memref<!tpu.dma_semaphore, #tpu.memory_space<semaphore_mem>>) src(%arg12 : memref<79x128xf32, #tpu.memory_space<vmem>>) dst(%dma_wait3A_51 : memref<79x128xf32, #tpu.memory_space<vmem_shared>>)
      tpu.yield
    }) : () -> ()
    %add3A_17 = arith.constant 316 : i32
    %add3A_18 = arith.addi %mul3A_8, %add3A_17 : i32
    "tpu.region"() ({
      %run_scoped3A = tpu.sem_alloc : memref<!tpu.dma_semaphore, #tpu.memory_space<semaphore_mem>>
      %dma_start3A_45 = arith.constant 0 : i32
      %dma_start3A_46 = tpu.memref_slice %arg13[%add3A_18, %dma_start3A_45] : memref<10112x128xf32, #tpu.memory_space<vmem_shared>> -> memref<79x128xf32, #tpu.memory_space<vmem_shared>>
      %dma_start3A_47 = arith.constant 0 : i32
      %dma_start3A_48 = tpu.memref_slice %arg13[%add3A_18, %dma_start3A_47] : memref<10112x128xf32, #tpu.memory_space<vmem_shared>> -> memref<79x128xf32, #tpu.memory_space<vmem_shared>>
      tpu.enqueue_dma source(%arg12 : memref<79x128xf32, #tpu.memory_space<vmem>>) target(%dma_start3A_48 : memref<79x128xf32, #tpu.memory_space<vmem_shared>>) target_semaphore(%run_scoped3A : memref<!tpu.dma_semaphore, #tpu.memory_space<semaphore_mem>>)
      %dma_wait3A = arith.constant 0 : i32
      %dma_wait3A_49 = tpu.memref_slice %arg13[%add3A_18, %dma_wait3A] : memref<10112x128xf32, #tpu.memory_space<vmem_shared>> -> memref<79x128xf32, #tpu.memory_space<vmem_shared>>
      %dma_wait3A_50 = arith.constant 0 : i32
      %dma_wait3A_51 = tpu.memref_slice %arg13[%add3A_18, %dma_wait3A_50] : memref<10112x128xf32, #tpu.memory_space<vmem_shared>> -> memref<79x128xf32, #tpu.memory_space<vmem_shared>>
      tpu.wait_dma2 semaphore(%run_scoped3A : memref<!tpu.dma_semaphore, #tpu.memory_space<semaphore_mem>>) src(%arg12 : memref<79x128xf32, #tpu.memory_space<vmem>>) dst(%dma_wait3A_51 : memref<79x128xf32, #tpu.memory_space<vmem_shared>>)
      tpu.yield
    }) : () -> ()
    %add3A_19 = arith.constant 395 : i32
    %add3A_20 = arith.addi %mul3A_8, %add3A_19 : i32
    "tpu.region"() ({
      %run_scoped3A = tpu.sem_alloc : memref<!tpu.dma_semaphore, #tpu.memory_space<semaphore_mem>>
      %dma_start3A_45 = arith.constant 0 : i32
      %dma_start3A_46 = tpu.memref_slice %arg13[%add3A_20, %dma_start3A_45] : memref<10112x128xf32, #tpu.memory_space<vmem_shared>> -> memref<79x128xf32, #tpu.memory_space<vmem_shared>>
      %dma_start3A_47 = arith.constant 0 : i32
      %dma_start3A_48 = tpu.memref_slice %arg13[%add3A_20, %dma_start3A_47] : memref<10112x128xf32, #tpu.memory_space<vmem_shared>> -> memref<79x128xf32, #tpu.memory_space<vmem_shared>>
      tpu.enqueue_dma source(%arg12 : memref<79x128xf32, #tpu.memory_space<vmem>>) target(%dma_start3A_48 : memref<79x128xf32, #tpu.memory_space<vmem_shared>>) target_semaphore(%run_scoped3A : memref<!tpu.dma_semaphore, #tpu.memory_space<semaphore_mem>>)
      %dma_wait3A = arith.constant 0 : i32
      %dma_wait3A_49 = tpu.memref_slice %arg13[%add3A_20, %dma_wait3A] : memref<10112x128xf32, #tpu.memory_space<vmem_shared>> -> memref<79x128xf32, #tpu.memory_space<vmem_shared>>
      %dma_wait3A_50 = arith.constant 0 : i32
      %dma_wait3A_51 = tpu.memref_slice %arg13[%add3A_20, %dma_wait3A_50] : memref<10112x128xf32, #tpu.memory_space<vmem_shared>> -> memref<79x128xf32, #tpu.memory_space<vmem_shared>>
      tpu.wait_dma2 semaphore(%run_scoped3A : memref<!tpu.dma_semaphore, #tpu.memory_space<semaphore_mem>>) src(%arg12 : memref<79x128xf32, #tpu.memory_space<vmem>>) dst(%dma_wait3A_51 : memref<79x128xf32, #tpu.memory_space<vmem_shared>>)
      tpu.yield
    }) : () -> ()
    %add3A_21 = arith.constant 474 : i32
    %add3A_22 = arith.addi %mul3A_8, %add3A_21 : i32
    "tpu.region"() ({
      %run_scoped3A = tpu.sem_alloc : memref<!tpu.dma_semaphore, #tpu.memory_space<semaphore_mem>>
      %dma_start3A_45 = arith.constant 0 : i32
      %dma_start3A_46 = tpu.memref_slice %arg13[%add3A_22, %dma_start3A_45] : memref<10112x128xf32, #tpu.memory_space<vmem_shared>> -> memref<79x128xf32, #tpu.memory_space<vmem_shared>>
      %dma_start3A_47 = arith.constant 0 : i32
      %dma_start3A_48 = tpu.memref_slice %arg13[%add3A_22, %dma_start3A_47] : memref<10112x128xf32, #tpu.memory_space<vmem_shared>> -> memref<79x128xf32, #tpu.memory_space<vmem_shared>>
      tpu.enqueue_dma source(%arg12 : memref<79x128xf32, #tpu.memory_space<vmem>>) target(%dma_start3A_48 : memref<79x128xf32, #tpu.memory_space<vmem_shared>>) target_semaphore(%run_scoped3A : memref<!tpu.dma_semaphore, #tpu.memory_space<semaphore_mem>>)
      %dma_wait3A = arith.constant 0 : i32
      %dma_wait3A_49 = tpu.memref_slice %arg13[%add3A_22, %dma_wait3A] : memref<10112x128xf32, #tpu.memory_space<vmem_shared>> -> memref<79x128xf32, #tpu.memory_space<vmem_shared>>
      %dma_wait3A_50 = arith.constant 0 : i32
      %dma_wait3A_51 = tpu.memref_slice %arg13[%add3A_22, %dma_wait3A_50] : memref<10112x128xf32, #tpu.memory_space<vmem_shared>> -> memref<79x128xf32, #tpu.memory_space<vmem_shared>>
      tpu.wait_dma2 semaphore(%run_scoped3A : memref<!tpu.dma_semaphore, #tpu.memory_space<semaphore_mem>>) src(%arg12 : memref<79x128xf32, #tpu.memory_space<vmem>>) dst(%dma_wait3A_51 : memref<79x128xf32, #tpu.memory_space<vmem_shared>>)
      tpu.yield
    }) : () -> ()
    %add3A_23 = arith.constant 553 : i32
    %add3A_24 = arith.addi %mul3A_8, %add3A_23 : i32
    "tpu.region"() ({
      %run_scoped3A = tpu.sem_alloc : memref<!tpu.dma_semaphore, #tpu.memory_space<semaphore_mem>>
      %dma_start3A_45 = arith.constant 0 : i32
      %dma_start3A_46 = tpu.memref_slice %arg13[%add3A_24, %dma_start3A_45] : memref<10112x128xf32, #tpu.memory_space<vmem_shared>> -> memref<79x128xf32, #tpu.memory_space<vmem_shared>>
      %dma_start3A_47 = arith.constant 0 : i32
      %dma_start3A_48 = tpu.memref_slice %arg13[%add3A_24, %dma_start3A_47] : memref<10112x128xf32, #tpu.memory_space<vmem_shared>> -> memref<79x128xf32, #tpu.memory_space<vmem_shared>>
      tpu.enqueue_dma source(%arg12 : memref<79x128xf32, #tpu.memory_space<vmem>>) target(%dma_start3A_48 : memref<79x128xf32, #tpu.memory_space<vmem_shared>>) target_semaphore(%run_scoped3A : memref<!tpu.dma_semaphore, #tpu.memory_space<semaphore_mem>>)
      %dma_wait3A = arith.constant 0 : i32
      %dma_wait3A_49 = tpu.memref_slice %arg13[%add3A_24, %dma_wait3A] : memref<10112x128xf32, #tpu.memory_space<vmem_shared>> -> memref<79x128xf32, #tpu.memory_space<vmem_shared>>
      %dma_wait3A_50 = arith.constant 0 : i32
      %dma_wait3A_51 = tpu.memref_slice %arg13[%add3A_24, %dma_wait3A_50] : memref<10112x128xf32, #tpu.memory_space<vmem_shared>> -> memref<79x128xf32, #tpu.memory_space<vmem_shared>>
      tpu.wait_dma2 semaphore(%run_scoped3A : memref<!tpu.dma_semaphore, #tpu.memory_space<semaphore_mem>>) src(%arg12 : memref<79x128xf32, #tpu.memory_space<vmem>>) dst(%dma_wait3A_51 : memref<79x128xf32, #tpu.memory_space<vmem_shared>>)
      tpu.yield
    }) : () -> ()
    %mul3A_25 = arith.constant 640 : i32
    %mul3A_26 = arith.muli %arg1, %mul3A_25 : i32
    %barrier3A = arith.constant 0 : index
    tpu.barrier barrier_id(%barrier3A)
    %mul3A_27 = arith.constant 10240 : i32
    %mul3A_28 = arith.muli %add3A, %mul3A_27 : i32
    "tpu.region"() ({
      %run_scoped3A = tpu.sem_alloc : memref<!tpu.dma_semaphore, #tpu.memory_space<semaphore_mem>>
      %dma_start3A_45 = tpu.memref_slice %arg3[%mul3A_28] : memref<327680xi32, #tpu.memory_space<hbm>> -> memref<128xi32, #tpu.memory_space<hbm>>
      %dma_start3A_46 = tpu.memref_slice %arg3[%mul3A_28] : memref<327680xi32, #tpu.memory_space<hbm>> -> memref<128xi32, #tpu.memory_space<hbm>>
      tpu.enqueue_dma source(%dma_start3A_46 : memref<128xi32, #tpu.memory_space<hbm>>) target(%arg6 : memref<128xi32, #tpu.memory_space<vmem>>) target_semaphore(%run_scoped3A : memref<!tpu.dma_semaphore, #tpu.memory_space<semaphore_mem>>)
      %dma_wait3A = tpu.memref_slice %arg3[%mul3A_28] : memref<327680xi32, #tpu.memory_space<hbm>> -> memref<128xi32, #tpu.memory_space<hbm>>
      %dma_wait3A_47 = tpu.memref_slice %arg3[%mul3A_28] : memref<327680xi32, #tpu.memory_space<hbm>> -> memref<128xi32, #tpu.memory_space<hbm>>
      tpu.wait_dma2 semaphore(%run_scoped3A : memref<!tpu.dma_semaphore, #tpu.memory_space<semaphore_mem>>) src(%dma_wait3A_47 : memref<128xi32, #tpu.memory_space<hbm>>) dst(%arg6 : memref<128xi32, #tpu.memory_space<vmem>>)
      tpu.yield
    }) : () -> ()
    "tpu.region"() ({
      %run_scoped3A = tpu.sem_alloc : memref<!tpu.dma_semaphore, #tpu.memory_space<semaphore_mem>>
      %dma_start3A_45 = tpu.memref_slice %arg4[%mul3A_28] : memref<327680xi32, #tpu.memory_space<hbm>> -> memref<128xi32, #tpu.memory_space<hbm>>
      %dma_start3A_46 = tpu.memref_slice %arg4[%mul3A_28] : memref<327680xi32, #tpu.memory_space<hbm>> -> memref<128xi32, #tpu.memory_space<hbm>>
      tpu.enqueue_dma source(%dma_start3A_46 : memref<128xi32, #tpu.memory_space<hbm>>) target(%arg7 : memref<128xi32, #tpu.memory_space<vmem>>) target_semaphore(%run_scoped3A : memref<!tpu.dma_semaphore, #tpu.memory_space<semaphore_mem>>)
      %dma_wait3A = tpu.memref_slice %arg4[%mul3A_28] : memref<327680xi32, #tpu.memory_space<hbm>> -> memref<128xi32, #tpu.memory_space<hbm>>
      %dma_wait3A_47 = tpu.memref_slice %arg4[%mul3A_28] : memref<327680xi32, #tpu.memory_space<hbm>> -> memref<128xi32, #tpu.memory_space<hbm>>
      tpu.wait_dma2 semaphore(%run_scoped3A : memref<!tpu.dma_semaphore, #tpu.memory_space<semaphore_mem>>) src(%dma_wait3A_47 : memref<128xi32, #tpu.memory_space<hbm>>) dst(%arg7 : memref<128xi32, #tpu.memory_space<vmem>>)
      tpu.yield
    }) : () -> ()
    %dma_start3A = arith.constant 0 : i32
    %dma_start3A_29 = arith.constant 0 : i32
    %dma_start3A_30 = tpu.memref_slice %arg2[%dma_start3A, %dma_start3A_29] : memref<10112x128xf32, #tpu.memory_space<hbm>> -> memref<10112x128xf32, #tpu.memory_space<hbm>>
    tpu.enqueue_indirect_dma source(%dma_start3A_30 : memref<10112x128xf32, #tpu.memory_space<hbm>>) target(%arg10 : memref<128x128xf32, #tpu.memory_space<vmem>>) offsets(%arg6 : memref<128xi32, #tpu.memory_space<vmem>>) semaphore(%arg14 : memref<!tpu.dma_semaphore, #tpu.memory_space<semaphore_mem>>)
    %add3A_31 = arith.constant 128 : i32
    %add3A_32 = arith.addi %mul3A_28, %add3A_31 : i32
    "tpu.region"() ({
      %run_scoped3A = tpu.sem_alloc : memref<!tpu.dma_semaphore, #tpu.memory_space<semaphore_mem>>
      %dma_start3A_45 = tpu.memref_slice %arg3[%add3A_32] : memref<327680xi32, #tpu.memory_space<hbm>> -> memref<128xi32, #tpu.memory_space<hbm>>
      %dma_start3A_46 = tpu.memref_slice %arg3[%add3A_32] : memref<327680xi32, #tpu.memory_space<hbm>> -> memref<128xi32, #tpu.memory_space<hbm>>
      tpu.enqueue_dma source(%dma_start3A_46 : memref<128xi32, #tpu.memory_space<hbm>>) target(%arg8 : memref<128xi32, #tpu.memory_space<vmem>>) target_semaphore(%run_scoped3A : memref<!tpu.dma_semaphore, #tpu.memory_space<semaphore_mem>>)
      %dma_wait3A = tpu.memref_slice %arg3[%add3A_32] : memref<327680xi32, #tpu.memory_space<hbm>> -> memref<128xi32, #tpu.memory_space<hbm>>
      %dma_wait3A_47 = tpu.memref_slice %arg3[%add3A_32] : memref<327680xi32, #tpu.memory_space<hbm>> -> memref<128xi32, #tpu.memory_space<hbm>>
      tpu.wait_dma2 semaphore(%run_scoped3A : memref<!tpu.dma_semaphore, #tpu.memory_space<semaphore_mem>>) src(%dma_wait3A_47 : memref<128xi32, #tpu.memory_space<hbm>>) dst(%arg8 : memref<128xi32, #tpu.memory_space<vmem>>)
      tpu.yield
    }) : () -> ()
    %add3A_33 = arith.constant 128 : i32
    %add3A_34 = arith.addi %mul3A_28, %add3A_33 : i32
    "tpu.region"() ({
      %run_scoped3A = tpu.sem_alloc : memref<!tpu.dma_semaphore, #tpu.memory_space<semaphore_mem>>
      %dma_start3A_45 = tpu.memref_slice %arg4[%add3A_34] : memref<327680xi32, #tpu.memory_space<hbm>> -> memref<128xi32, #tpu.memory_space<hbm>>
      %dma_start3A_46 = tpu.memref_slice %arg4[%add3A_34] : memref<327680xi32, #tpu.memory_space<hbm>> -> memref<128xi32, #tpu.memory_space<hbm>>
      tpu.enqueue_dma source(%dma_start3A_46 : memref<128xi32, #tpu.memory_space<hbm>>) target(%arg9 : memref<128xi32, #tpu.memory_space<vmem>>) target_semaphore(%run_scoped3A : memref<!tpu.dma_semaphore, #tpu.memory_space<semaphore_mem>>)
      %dma_wait3A = tpu.memref_slice %arg4[%add3A_34] : memref<327680xi32, #tpu.memory_space<hbm>> -> memref<128xi32, #tpu.memory_space<hbm>>
      %dma_wait3A_47 = tpu.memref_slice %arg4[%add3A_34] : memref<327680xi32, #tpu.memory_space<hbm>> -> memref<128xi32, #tpu.memory_space<hbm>>
      tpu.wait_dma2 semaphore(%run_scoped3A : memref<!tpu.dma_semaphore, #tpu.memory_space<semaphore_mem>>) src(%dma_wait3A_47 : memref<128xi32, #tpu.memory_space<hbm>>) dst(%arg9 : memref<128xi32, #tpu.memory_space<vmem>>)
      tpu.yield
    }) : () -> ()
    %dma_start3A_35 = arith.constant 0 : i32
    %dma_start3A_36 = arith.constant 0 : i32
    %dma_start3A_37 = tpu.memref_slice %arg2[%dma_start3A_35, %dma_start3A_36] : memref<10112x128xf32, #tpu.memory_space<hbm>> -> memref<10112x128xf32, #tpu.memory_space<hbm>>
    tpu.enqueue_indirect_dma source(%dma_start3A_37 : memref<10112x128xf32, #tpu.memory_space<hbm>>) target(%arg11 : memref<128x128xf32, #tpu.memory_space<vmem>>) offsets(%arg8 : memref<128xi32, #tpu.memory_space<vmem>>) semaphore(%arg15 : memref<!tpu.dma_semaphore, #tpu.memory_space<semaphore_mem>>)
    %scan3A_38 = arith.constant 0 : i32
    %scan3A_39 = arith.constant 0 : i32
    %scan3A_40 = arith.constant 40 : i32
    %scan3A_41 = arith.addi %scan3A_39, %scan3A_40 : i32
    %scan3A_42 = arith.constant 1 : i32
    scf.for %scan3A_45 = %scan3A_39 to %scan3A_41 step %scan3A_42  : i32 {
      %mul3A_46 = arith.constant 2 : i32
      %mul3A_47 = arith.muli %mul3A_46, %scan3A_45 : i32
      %dma_wait3A = arith.constant 0 : i32
      %dma_wait3A_48 = arith.constant 0 : i32
      %dma_wait3A_49 = tpu.memref_slice %arg2[%dma_wait3A, %dma_wait3A_48] : memref<10112x128xf32, #tpu.memory_space<hbm>> -> memref<10112x128xf32, #tpu.memory_space<hbm>>
      tpu.wait_indirect_dma semaphore(%arg14 : memref<!tpu.dma_semaphore, #tpu.memory_space<semaphore_mem>>) src(%dma_wait3A_49 : memref<10112x128xf32, #tpu.memory_space<hbm>>) dst(%arg10 : memref<128x128xf32, #tpu.memory_space<vmem>>)
      %dma_start3A_50 = arith.constant 0 : i32
      %dma_start3A_51 = arith.constant 0 : i32
      %dma_start3A_52 = tpu.memref_slice %arg13[%dma_start3A_50, %dma_start3A_51] : memref<10112x128xf32, #tpu.memory_space<vmem_shared>> -> memref<10112x128xf32, #tpu.memory_space<vmem_shared>>
      tpu.enqueue_indirect_dma source(%arg10 : memref<128x128xf32, #tpu.memory_space<vmem>>) target(%dma_start3A_52 : memref<10112x128xf32, #tpu.memory_space<vmem_shared>>) offsets(%arg7 : memref<128xi32, #tpu.memory_space<vmem>>) semaphore(%arg16 : memref<!tpu.dma_semaphore, #tpu.memory_space<semaphore_mem>>) {add = true}
      %add3A_53 = arith.constant 2 : i32
      %add3A_54 = arith.addi %mul3A_47, %add3A_53 : i32
      %lt3A = arith.constant 80 : i32
      %lt3A_55 = arith.cmpi slt, %add3A_54, %lt3A : i32
      %convert_element_type3A = arith.extui %lt3A_55 : i1 to i32
      %cond3A = arith.constant 0 : i32
      %cond3A_56 = arith.cmpi ne, %convert_element_type3A, %cond3A : i32
      scf.if %cond3A_56 {
        %add3A_90 = arith.constant 2 : i32
        %add3A_91 = arith.addi %mul3A_47, %add3A_90 : i32
        %mul3A_92 = arith.constant 128 : i32
        %mul3A_93 = arith.muli %add3A_91, %mul3A_92 : i32
        %add3A_94 = arith.addi %mul3A_28, %mul3A_93 : i32
        "tpu.region"() ({
          %run_scoped3A = tpu.sem_alloc : memref<!tpu.dma_semaphore, #tpu.memory_space<semaphore_mem>>
          %dma_start3A_95 = tpu.memref_slice %arg3[%add3A_94] : memref<327680xi32, #tpu.memory_space<hbm>> -> memref<128xi32, #tpu.memory_space<hbm>>
          %dma_start3A_96 = tpu.memref_slice %arg3[%add3A_94] : memref<327680xi32, #tpu.memory_space<hbm>> -> memref<128xi32, #tpu.memory_space<hbm>>
          tpu.enqueue_dma source(%dma_start3A_96 : memref<128xi32, #tpu.memory_space<hbm>>) target(%arg6 : memref<128xi32, #tpu.memory_space<vmem>>) target_semaphore(%run_scoped3A : memref<!tpu.dma_semaphore, #tpu.memory_space<semaphore_mem>>)
          %dma_wait3A_97 = tpu.memref_slice %arg3[%add3A_94] : memref<327680xi32, #tpu.memory_space<hbm>> -> memref<128xi32, #tpu.memory_space<hbm>>
          %dma_wait3A_98 = tpu.memref_slice %arg3[%add3A_94] : memref<327680xi32, #tpu.memory_space<hbm>> -> memref<128xi32, #tpu.memory_space<hbm>>
          tpu.wait_dma2 semaphore(%run_scoped3A : memref<!tpu.dma_semaphore, #tpu.memory_space<semaphore_mem>>) src(%dma_wait3A_98 : memref<128xi32, #tpu.memory_space<hbm>>) dst(%arg6 : memref<128xi32, #tpu.memory_space<vmem>>)
          tpu.yield
        }) : () -> ()
      } else {
      }
      %dma_wait3A_57 = arith.constant 0 : i32
      %dma_wait3A_58 = arith.constant 0 : i32
      %dma_wait3A_59 = tpu.memref_slice %arg13[%dma_wait3A_57, %dma_wait3A_58] : memref<10112x128xf32, #tpu.memory_space<vmem_shared>> -> memref<10112x128xf32, #tpu.memory_space<vmem_shared>>
      tpu.wait_indirect_dma semaphore(%arg16 : memref<!tpu.dma_semaphore, #tpu.memory_space<semaphore_mem>>) src(%arg10 : memref<128x128xf32, #tpu.memory_space<vmem>>) dst(%dma_wait3A_59 : memref<10112x128xf32, #tpu.memory_space<vmem_shared>>)
      %add3A_60 = arith.constant 2 : i32
      %add3A_61 = arith.addi %mul3A_47, %add3A_60 : i32
      %lt3A_62 = arith.constant 80 : i32
      %lt3A_63 = arith.cmpi slt, %add3A_61, %lt3A_62 : i32
      %convert_element_type3A_64 = arith.extui %lt3A_63 : i1 to i32
      %cond3A_65 = arith.constant 0 : i32
      %cond3A_66 = arith.cmpi ne, %convert_element_type3A_64, %cond3A_65 : i32
      scf.if %cond3A_66 {
        %add3A_90 = arith.constant 2 : i32
        %add3A_91 = arith.addi %mul3A_47, %add3A_90 : i32
        %mul3A_92 = arith.constant 128 : i32
        %mul3A_93 = arith.muli %add3A_91, %mul3A_92 : i32
        %add3A_94 = arith.addi %mul3A_28, %mul3A_93 : i32
        "tpu.region"() ({
          %run_scoped3A = tpu.sem_alloc : memref<!tpu.dma_semaphore, #tpu.memory_space<semaphore_mem>>
          %dma_start3A_98 = tpu.memref_slice %arg4[%add3A_94] : memref<327680xi32, #tpu.memory_space<hbm>> -> memref<128xi32, #tpu.memory_space<hbm>>
          %dma_start3A_99 = tpu.memref_slice %arg4[%add3A_94] : memref<327680xi32, #tpu.memory_space<hbm>> -> memref<128xi32, #tpu.memory_space<hbm>>
          tpu.enqueue_dma source(%dma_start3A_99 : memref<128xi32, #tpu.memory_space<hbm>>) target(%arg7 : memref<128xi32, #tpu.memory_space<vmem>>) target_semaphore(%run_scoped3A : memref<!tpu.dma_semaphore, #tpu.memory_space<semaphore_mem>>)
          %dma_wait3A_100 = tpu.memref_slice %arg4[%add3A_94] : memref<327680xi32, #tpu.memory_space<hbm>> -> memref<128xi32, #tpu.memory_space<hbm>>
          %dma_wait3A_101 = tpu.memref_slice %arg4[%add3A_94] : memref<327680xi32, #tpu.memory_space<hbm>> -> memref<128xi32, #tpu.memory_space<hbm>>
          tpu.wait_dma2 semaphore(%run_scoped3A : memref<!tpu.dma_semaphore, #tpu.memory_space<semaphore_mem>>) src(%dma_wait3A_101 : memref<128xi32, #tpu.memory_space<hbm>>) dst(%arg7 : memref<128xi32, #tpu.memory_space<vmem>>)
          tpu.yield
        }) : () -> ()
        %dma_start3A_95 = arith.constant 0 : i32
        %dma_start3A_96 = arith.constant 0 : i32
        %dma_start3A_97 = tpu.memref_slice %arg2[%dma_start3A_95, %dma_start3A_96] : memref<10112x128xf32, #tpu.memory_space<hbm>> -> memref<10112x128xf32, #tpu.memory_space<hbm>>
        tpu.enqueue_indirect_dma source(%dma_start3A_97 : memref<10112x128xf32, #tpu.memory_space<hbm>>) target(%arg10 : memref<128x128xf32, #tpu.memory_space<vmem>>) offsets(%arg6 : memref<128xi32, #tpu.memory_space<vmem>>) semaphore(%arg14 : memref<!tpu.dma_semaphore, #tpu.memory_space<semaphore_mem>>)
      } else {
      }
      %dma_wait3A_67 = arith.constant 0 : i32
      %dma_wait3A_68 = arith.constant 0 : i32
      %dma_wait3A_69 = tpu.memref_slice %arg2[%dma_wait3A_67, %dma_wait3A_68] : memref<10112x128xf32, #tpu.memory_space<hbm>> -> memref<10112x128xf32, #tpu.memory_space<hbm>>
      tpu.wait_indirect_dma semaphore(%arg15 : memref<!tpu.dma_semaphore, #tpu.memory_space<semaphore_mem>>) src(%dma_wait3A_69 : memref<10112x128xf32, #tpu.memory_space<hbm>>) dst(%arg11 : memref<128x128xf32, #tpu.memory_space<vmem>>)
      %dma_start3A_70 = arith.constant 0 : i32
      %dma_start3A_71 = arith.constant 0 : i32
      %dma_start3A_72 = tpu.memref_slice %arg13[%dma_start3A_70, %dma_start3A_71] : memref<10112x128xf32, #tpu.memory_space<vmem_shared>> -> memref<10112x128xf32, #tpu.memory_space<vmem_shared>>
      tpu.enqueue_indirect_dma source(%arg11 : memref<128x128xf32, #tpu.memory_space<vmem>>) target(%dma_start3A_72 : memref<10112x128xf32, #tpu.memory_space<vmem_shared>>) offsets(%arg9 : memref<128xi32, #tpu.memory_space<vmem>>) semaphore(%arg16 : memref<!tpu.dma_semaphore, #tpu.memory_space<semaphore_mem>>) {add = true}
      %add3A_73 = arith.constant 3 : i32
      %add3A_74 = arith.addi %mul3A_47, %add3A_73 : i32
      %lt3A_75 = arith.constant 80 : i32
      %lt3A_76 = arith.cmpi slt, %add3A_74, %lt3A_75 : i32
      %convert_element_type3A_77 = arith.extui %lt3A_76 : i1 to i32
      %cond3A_78 = arith.constant 0 : i32
      %cond3A_79 = arith.cmpi ne, %convert_element_type3A_77, %cond3A_78 : i32
      scf.if %cond3A_79 {
        %add3A_90 = arith.constant 3 : i32
        %add3A_91 = arith.addi %mul3A_47, %add3A_90 : i32
        %mul3A_92 = arith.constant 128 : i32
        %mul3A_93 = arith.muli %add3A_91, %mul3A_92 : i32
        %add3A_94 = arith.addi %mul3A_28, %mul3A_93 : i32
        "tpu.region"() ({
          %run_scoped3A = tpu.sem_alloc : memref<!tpu.dma_semaphore, #tpu.memory_space<semaphore_mem>>
          %dma_start3A_95 = tpu.memref_slice %arg3[%add3A_94] : memref<327680xi32, #tpu.memory_space<hbm>> -> memref<128xi32, #tpu.memory_space<hbm>>
          %dma_start3A_96 = tpu.memref_slice %arg3[%add3A_94] : memref<327680xi32, #tpu.memory_space<hbm>> -> memref<128xi32, #tpu.memory_space<hbm>>
          tpu.enqueue_dma source(%dma_start3A_96 : memref<128xi32, #tpu.memory_space<hbm>>) target(%arg8 : memref<128xi32, #tpu.memory_space<vmem>>) target_semaphore(%run_scoped3A : memref<!tpu.dma_semaphore, #tpu.memory_space<semaphore_mem>>)
          %dma_wait3A_97 = tpu.memref_slice %arg3[%add3A_94] : memref<327680xi32, #tpu.memory_space<hbm>> -> memref<128xi32, #tpu.memory_space<hbm>>
          %dma_wait3A_98 = tpu.memref_slice %arg3[%add3A_94] : memref<327680xi32, #tpu.memory_space<hbm>> -> memref<128xi32, #tpu.memory_space<hbm>>
          tpu.wait_dma2 semaphore(%run_scoped3A : memref<!tpu.dma_semaphore, #tpu.memory_space<semaphore_mem>>) src(%dma_wait3A_98 : memref<128xi32, #tpu.memory_space<hbm>>) dst(%arg8 : memref<128xi32, #tpu.memory_space<vmem>>)
          tpu.yield
        }) : () -> ()
      } else {
      }
      %dma_wait3A_80 = arith.constant 0 : i32
      %dma_wait3A_81 = arith.constant 0 : i32
      %dma_wait3A_82 = tpu.memref_slice %arg13[%dma_wait3A_80, %dma_wait3A_81] : memref<10112x128xf32, #tpu.memory_space<vmem_shared>> -> memref<10112x128xf32, #tpu.memory_space<vmem_shared>>
      tpu.wait_indirect_dma semaphore(%arg16 : memref<!tpu.dma_semaphore, #tpu.memory_space<semaphore_mem>>) src(%arg11 : memref<128x128xf32, #tpu.memory_space<vmem>>) dst(%dma_wait3A_82 : memref<10112x128xf32, #tpu.memory_space<vmem_shared>>)
      %add3A_83 = arith.constant 3 : i32
      %add3A_84 = arith.addi %mul3A_47, %add3A_83 : i32
      %lt3A_85 = arith.constant 80 : i32
      %lt3A_86 = arith.cmpi slt, %add3A_84, %lt3A_85 : i32
      %convert_element_type3A_87 = arith.extui %lt3A_86 : i1 to i32
      %cond3A_88 = arith.constant 0 : i32
      %cond3A_89 = arith.cmpi ne, %convert_element_type3A_87, %cond3A_88 : i32
      scf.if %cond3A_89 {
        %add3A_90 = arith.constant 3 : i32
        %add3A_91 = arith.addi %mul3A_47, %add3A_90 : i32
        %mul3A_92 = arith.constant 128 : i32
        %mul3A_93 = arith.muli %add3A_91, %mul3A_92 : i32
        %add3A_94 = arith.addi %mul3A_28, %mul3A_93 : i32
        "tpu.region"() ({
          %run_scoped3A = tpu.sem_alloc : memref<!tpu.dma_semaphore, #tpu.memory_space<semaphore_mem>>
          %dma_start3A_98 = tpu.memref_slice %arg4[%add3A_94] : memref<327680xi32, #tpu.memory_space<hbm>> -> memref<128xi32, #tpu.memory_space<hbm>>
          %dma_start3A_99 = tpu.memref_slice %arg4[%add3A_94] : memref<327680xi32, #tpu.memory_space<hbm>> -> memref<128xi32, #tpu.memory_space<hbm>>
          tpu.enqueue_dma source(%dma_start3A_99 : memref<128xi32, #tpu.memory_space<hbm>>) target(%arg9 : memref<128xi32, #tpu.memory_space<vmem>>) target_semaphore(%run_scoped3A : memref<!tpu.dma_semaphore, #tpu.memory_space<semaphore_mem>>)
          %dma_wait3A_100 = tpu.memref_slice %arg4[%add3A_94] : memref<327680xi32, #tpu.memory_space<hbm>> -> memref<128xi32, #tpu.memory_space<hbm>>
          %dma_wait3A_101 = tpu.memref_slice %arg4[%add3A_94] : memref<327680xi32, #tpu.memory_space<hbm>> -> memref<128xi32, #tpu.memory_space<hbm>>
          tpu.wait_dma2 semaphore(%run_scoped3A : memref<!tpu.dma_semaphore, #tpu.memory_space<semaphore_mem>>) src(%dma_wait3A_101 : memref<128xi32, #tpu.memory_space<hbm>>) dst(%arg9 : memref<128xi32, #tpu.memory_space<vmem>>)
          tpu.yield
        }) : () -> ()
        %dma_start3A_95 = arith.constant 0 : i32
        %dma_start3A_96 = arith.constant 0 : i32
        %dma_start3A_97 = tpu.memref_slice %arg2[%dma_start3A_95, %dma_start3A_96] : memref<10112x128xf32, #tpu.memory_space<hbm>> -> memref<10112x128xf32, #tpu.memory_space<hbm>>
        tpu.enqueue_indirect_dma source(%dma_start3A_97 : memref<10112x128xf32, #tpu.memory_space<hbm>>) target(%arg11 : memref<128x128xf32, #tpu.memory_space<vmem>>) offsets(%arg8 : memref<128xi32, #tpu.memory_space<vmem>>) semaphore(%arg15 : memref<!tpu.dma_semaphore, #tpu.memory_space<semaphore_mem>>)
      } else {
      }
    }
    %scan3A_43 = arith.constant 40 : i32
    %barrier3A_44 = arith.constant 0 : index
    tpu.barrier barrier_id(%barrier3A_44)
    "tpu.region"() ({
      %run_scoped3A = tpu.sem_alloc : memref<!tpu.dma_semaphore, #tpu.memory_space<semaphore_mem>>
      %dma_start3A_45 = arith.constant 0 : i32
      %dma_start3A_46 = tpu.memref_slice %arg5[%arg0, %mul3A_8, %dma_start3A_45] : memref<2x10112x128xf32, #tpu.memory_space<hbm>> -> memref<1x632x128xf32, #tpu.memory_space<hbm>>
      %dma_start3A_47 = tpu.memref_squeeze %dma_start3A_46 : memref<1x632x128xf32, #tpu.memory_space<hbm>> -> memref<632x128xf32, #tpu.memory_space<hbm>>
      %dma_start3A_48 = arith.constant 0 : i32
      %dma_start3A_49 = tpu.memref_slice %arg13[%mul3A_8, %dma_start3A_48] : memref<10112x128xf32, #tpu.memory_space<vmem_shared>> -> memref<632x128xf32, #tpu.memory_space<vmem_shared>>
      tpu.enqueue_dma source(%dma_start3A_49 : memref<632x128xf32, #tpu.memory_space<vmem_shared>>) target(%dma_start3A_47 : memref<632x128xf32, #tpu.memory_space<hbm>>) target_semaphore(%run_scoped3A : memref<!tpu.dma_semaphore, #tpu.memory_space<semaphore_mem>>)
      %dma_wait3A = arith.constant 0 : i32
      %dma_wait3A_50 = tpu.memref_slice %arg5[%arg0, %mul3A_8, %dma_wait3A] : memref<2x10112x128xf32, #tpu.memory_space<hbm>> -> memref<1x632x128xf32, #tpu.memory_space<hbm>>
      %dma_wait3A_51 = tpu.memref_squeeze %dma_wait3A_50 : memref<1x632x128xf32, #tpu.memory_space<hbm>> -> memref<632x128xf32, #tpu.memory_space<hbm>>
      %dma_wait3A_52 = arith.constant 0 : i32
      %dma_wait3A_53 = tpu.memref_slice %arg13[%mul3A_8, %dma_wait3A_52] : memref<10112x128xf32, #tpu.memory_space<vmem_shared>> -> memref<632x128xf32, #tpu.memory_space<vmem_shared>>
      tpu.wait_dma2 semaphore(%run_scoped3A : memref<!tpu.dma_semaphore, #tpu.memory_space<semaphore_mem>>) src(%dma_wait3A_53 : memref<632x128xf32, #tpu.memory_space<vmem_shared>>) dst(%dma_wait3A_51 : memref<632x128xf32, #tpu.memory_space<hbm>>)
      tpu.yield
    }) : () -> ()
    return
  }
}

module attributes {stable_mosaic.version = 14 : i64} {
  func.func @_tc_layer_body(%arg0: i32, %arg1: memref<2x5056x128xf32, #tpu.memory_space<vmem>>, %arg2: memref<2x5056x1xf32, #tpu.memory_space<vmem>>, %arg3: memref<5056x128xf32, #tpu.memory_space<vmem>>, %arg4: memref<128x128xf32, #tpu.memory_space<vmem>>, %arg5: memref<1x128xf32, #tpu.memory_space<vmem>>, %arg6: memref<128x128xf32, #tpu.memory_space<vmem>>, %arg7: memref<5056x128xf32, #tpu.memory_space<vmem>>) attributes {dimension_semantics = [#tpu.dimension_semantics<arbitrary>], iteration_bounds = array<i64: 2>, scalar_prefetch = 0 : i64, scratch_operands = 0 : i64, tpu.core_type = #tpu.core_type<tc>, window_params = [{transform_indices = @transform_0, window_bounds = array<i64: 2, 5056, 128>}, {transform_indices = @transform_1, window_bounds = array<i64: 2, 5056, 1>}, {transform_indices = @transform_2, window_bounds = array<i64: 5056, 128>}, {pipeline_mode = #tpu.pipeline_mode<synchronous>, transform_indices = @transform_3, window_bounds = array<i64: 128, 128>}, {pipeline_mode = #tpu.pipeline_mode<synchronous>, transform_indices = @transform_4, window_bounds = array<i64: 1, 128>}, {pipeline_mode = #tpu.pipeline_mode<synchronous>, transform_indices = @transform_5, window_bounds = array<i64: 128, 128>}, {transform_indices = @transform_6, window_bounds = array<i64: 5056, 128>}]} {
    %get3A = arith.constant 0 : index
    %get3A_0 = arith.constant 0 : index
    %get3A_1 = arith.constant 0 : index
    %get3A_2 = vector.load %arg1[%get3A, %get3A_0, %get3A_1] : memref<2x5056x128xf32, #tpu.memory_space<vmem>>, vector<1x5056x128xf32>
    %get3A_3 = vector.shape_cast %get3A_2 : vector<1x5056x128xf32> to vector<5056x128xf32>
    %get3A_4 = arith.constant 1 : index
    %get3A_5 = arith.constant 0 : index
    %get3A_6 = arith.constant 0 : index
    %get3A_7 = vector.load %arg1[%get3A_4, %get3A_5, %get3A_6] : memref<2x5056x128xf32, #tpu.memory_space<vmem>>, vector<1x5056x128xf32>
    %get3A_8 = vector.shape_cast %get3A_7 : vector<1x5056x128xf32> to vector<5056x128xf32>
    %add3A = arith.addf %get3A_3, %get3A_8 : vector<5056x128xf32>
    %get3A_9 = arith.constant 0 : index
    %get3A_10 = arith.constant 0 : index
    %get3A_11 = arith.constant 0 : index
    %get3A_12 = vector.load %arg2[%get3A_9, %get3A_10, %get3A_11] : memref<2x5056x1xf32, #tpu.memory_space<vmem>>, vector<1x5056x1xf32>
    %get3A_13 = vector.shape_cast %get3A_12 : vector<1x5056x1xf32> to vector<5056x1xf32>
    %get3A_14 = arith.constant 1 : index
    %get3A_15 = arith.constant 0 : index
    %get3A_16 = arith.constant 0 : index
    %get3A_17 = vector.load %arg2[%get3A_14, %get3A_15, %get3A_16] : memref<2x5056x1xf32, #tpu.memory_space<vmem>>, vector<1x5056x1xf32>
    %get3A_18 = vector.shape_cast %get3A_17 : vector<1x5056x1xf32> to vector<5056x1xf32>
    %add3A_19 = arith.addf %get3A_13, %get3A_18 : vector<5056x1xf32>
    %max3A = arith.constant 1.000000e+00 : f32
    %max3A_20 = vector.broadcast %max3A : f32 to vector<5056x1xf32>
    %max3A_21 = arith.maximumf %add3A_19, %max3A_20 : vector<5056x1xf32>
    %div3A = vector.broadcast %max3A_21 : vector<5056x1xf32> to vector<5056x128xf32>
    %div3A_22 = arith.divf %add3A, %div3A : vector<5056x128xf32>
    %get3A_23 = arith.constant 0 : index
    %get3A_24 = arith.constant 0 : index
    %get3A_25 = vector.load %arg4[%get3A_23, %get3A_24] : memref<128x128xf32, #tpu.memory_space<vmem>>, vector<128x128xf32>
    %dot_general3A = arith.constant dense<0.000000e+00> : vector<5056x128xf32>
    %dot_general3A_26 = tpu.matmul %div3A_22, %get3A_25, %dot_general3A {dimension_numbers = #tpu.dot_dimension_numbers<[1], [1], [0], [0], [0, 0, 1, 0], [], []>, transpose_lhs_hint = false} : vector<5056x128xf32>, vector<128x128xf32>, vector<5056x128xf32> -> vector<5056x128xf32>
    %get3A_27 = arith.constant 0 : index
    %get3A_28 = arith.constant 0 : index
    %get3A_29 = vector.load %arg3[%get3A_27, %get3A_28] : memref<5056x128xf32, #tpu.memory_space<vmem>>, vector<5056x128xf32>
    %get3A_30 = arith.constant 0 : index
    %get3A_31 = arith.constant 0 : index
    %get3A_32 = vector.load %arg6[%get3A_30, %get3A_31] : memref<128x128xf32, #tpu.memory_space<vmem>>, vector<128x128xf32>
    %dot_general3A_33 = arith.constant dense<0.000000e+00> : vector<5056x128xf32>
    %dot_general3A_34 = tpu.matmul %get3A_29, %get3A_32, %dot_general3A_33 {dimension_numbers = #tpu.dot_dimension_numbers<[1], [1], [0], [0], [0, 0, 1, 0], [], []>, transpose_lhs_hint = false} : vector<5056x128xf32>, vector<128x128xf32>, vector<5056x128xf32> -> vector<5056x128xf32>
    %add3A_35 = arith.addf %dot_general3A_26, %dot_general3A_34 : vector<5056x128xf32>
    %get3A_36 = arith.constant 0 : index
    %get3A_37 = arith.constant 0 : index
    %get3A_38 = vector.load %arg5[%get3A_36, %get3A_37] : memref<1x128xf32, #tpu.memory_space<vmem>>, vector<1x128xf32>
    %add3A_39 = vector.broadcast %get3A_38 : vector<1x128xf32> to vector<5056x128xf32>
    %add3A_40 = arith.addf %add3A_35, %add3A_39 : vector<5056x128xf32>
    %max3A_41 = arith.constant 0.000000e+00 : f32
    %max3A_42 = vector.broadcast %max3A_41 : f32 to vector<5056x128xf32>
    %max3A_43 = arith.maximumf %add3A_40, %max3A_42 : vector<5056x128xf32>
    %swap3A = arith.constant 0 : index
    %swap3A_44 = arith.constant 0 : index
    %swap3A_45 = vector.load %arg7[%swap3A, %swap3A_44] : memref<5056x128xf32, #tpu.memory_space<vmem>>, vector<5056x128xf32>
    tpu.vector_store %arg7[%swap3A, %swap3A_44], %max3A_43 {strides = array<i32>} : memref<5056x128xf32, #tpu.memory_space<vmem>>, vector<5056x128xf32>,
    return
  }
  func.func @transform_0(%arg0: i32) -> (i32, i32, i32) {
    %c0_i32 = arith.constant 0 : i32
    %c0_i32_0 = arith.constant 0 : i32
    %c0_i32_1 = arith.constant 0 : i32
    return %c0_i32, %arg0, %c0_i32_0 : i32, i32, i32
  }
  func.func @transform_1(%arg0: i32) -> (i32, i32, i32) {
    %c0_i32 = arith.constant 0 : i32
    %c0_i32_0 = arith.constant 0 : i32
    %c0_i32_1 = arith.constant 0 : i32
    return %c0_i32, %arg0, %c0_i32_0 : i32, i32, i32
  }
  func.func @transform_2(%arg0: i32) -> (i32, i32) {
    %c0_i32 = arith.constant 0 : i32
    %c0_i32_0 = arith.constant 0 : i32
    return %arg0, %c0_i32 : i32, i32
  }
  func.func @transform_3(%arg0: i32) -> (i32, i32) {
    %c0_i32 = arith.constant 0 : i32
    %c0_i32_0 = arith.constant 0 : i32
    %c0_i32_1 = arith.constant 0 : i32
    return %c0_i32, %c0_i32_0 : i32, i32
  }
  func.func @transform_4(%arg0: i32) -> (i32, i32) {
    %c0_i32 = arith.constant 0 : i32
    %c0_i32_0 = arith.constant 0 : i32
    %c0_i32_1 = arith.constant 0 : i32
    return %c0_i32, %c0_i32_0 : i32, i32
  }
  func.func @transform_5(%arg0: i32) -> (i32, i32) {
    %c0_i32 = arith.constant 0 : i32
    %c0_i32_0 = arith.constant 0 : i32
    %c0_i32_1 = arith.constant 0 : i32
    return %c0_i32, %c0_i32_0 : i32, i32
  }
  func.func @transform_6(%arg0: i32) -> (i32, i32) {
    %c0_i32 = arith.constant 0 : i32
    %c0_i32_0 = arith.constant 0 : i32
    return %arg0, %c0_i32 : i32, i32
  }
}

</mosaic_0001>

<sc_bundles>
// kernel: kernel.6.cloned.1.call-start
scs
__scs_entry_jumppad:
0x0: {  	(pc) =	sbr.rel $0x88, $3  }
0x1: {  	(tag) =	ssettag $0x0;
	lr =	simm.s32 $0x1  }
0x2: {  	[smem:$0x3F99] =	sst lr;
	_ =	strace $0xD0000000  }
0x3: {  	_ = 	snop  }
0x4: {  	_ = 	snop  }
0x5: {  	_ = 	snop  }
0x6: {  	_ = 	snop  }
0x7: {  	_ = 	snop  }
__scs_overlays_trampoline_lowered:
0x8: {  	[smem:$0x3FA8] =	sst s0  }
0x9: {  	[smem:$0x3FA9] =	sst s1  }
0xa: {  	[smem:$0x3FAA] =	sst s2  }
0xb: {  	[smem:$0x3FAB] =	sst s3  }
0xc: {  	[smem:$0x3FAC] =	sst s4  }
0xd: {  	[smem:$0x3FAD] =	sst s5  }
0xe: {  	[smem:$0x3FAE] =	sst s6  }
0xf: {  	[smem:$0x3FAF] =	sst s7  }
0x10: {  	[smem:$0x3FB0] =	sst s8  }
0x11: {  	[smem:$0x3FB1] =	sst s9;
	s0 =	simm.s32 @!p0 $0x0  }
0x12: {  	s1 =	sld [smem:$0x3F97];
	s0 =	simm.s32 @p0 $0x1  }
0x13: {  	[smem:$0x3FB2] =	sst s0;
	s0 =	simm.s32 @!p1 $0x0  }
0x14: {  	s2 =	sld [smem:$0x3F96];
	s0 =	simm.s32 @p1 $0x1  }
0x15: {  	[smem:$0x3FB3] =	sst s0;
	s0 =	simm.s32 @!p2 $0x0  }
0x16: {  	s3 =	sld [smem:$0x3FDB];
	s0 =	simm.s32 @p2 $0x1  }
0x17: {  	s4 =	simm.s32 $0x1BF5;
	[smem:$0x3FB5] =	sst s0  }
0x18: {  	s0 =	sld [smem:$0x3F98];
	_ =	swait.ge [sflag:s4], $0x0  }
0x19: {  	s7 =	sld [smem:$0x3F99]  }
0x1a: {  	s8 =	sadd.s32 $0xFFFFE003, lr  }
0x1b: {  	s9 =	sadd.s32 $0xFFFFFEF7, lr;
	s5 =	simm.s32 $0xFFFFFFFF;
	p2 =	slt.u32 s8, $0xFFFFF086  }
0x1c: {  	p1 =	slt.u32 s9, $0xF7A;
	s5 =	simm.s32 @!p2 $0x0  }
0x1d: {  	s5 =	simm.s32 @p1 $0x1;
	p0 =	seq.s32 s7, s2  }
0x1e: {  	s7 =	smul.u32 @!p0 $0xF7A, s2;
	p2 =	seq.s32 @!p0 s5, $0x0  }
0x1f: {  	s9 =	smul.u32 $0xF7A, s1;
	s8 =	simm.s32 @!p0 $0x1BF5;
	p2 =	por !p2, p0  }
0x20: {  	[sflag:s8] =	ssyncset.s32 @!p0 $0xFFFFF086;
	s6 =	sadd.s32 @!p0 s3, s7;
	s7 =	simm.s32 @!p0 $0x108  }
0x21: {  	s3 =	sadd.s32 s3, s9;
	s6 =	sadd.s32 @!p0 $0x88, s6;
	s7 =	simm.s32 @p2 $0x1082  }
0x22: {  	[simem:s7], [sflag:s8] =	dma.local @!p0 [hbm:s6], $0xF7A  }
0x23: {  	s9 =	sor.u32 $0xD0000000, s2;
	s6 =	simm.s32 $0x108;
	_ =	swait.ge @!p0 [sflag:s8], $0x0  }
0x24: {  	s3 =	sadd.s32 $0x88, s3;
	s6 =	simm.s32 @!p1 $0x1082;
	[sflag:s4] =	ssyncset.s32 $0xFFFFF086  }
0x25: {  	[simem:s6], [sflag:s4] =	dma.local [hbm:s3], $0xF7A  }
0x26: {  	[smem:$0x3F99] =	sst s1;
	(tag) =	ssettag s2;
	_ =	strace s9  }
0x27: {  	s1 =	sld [smem:$0x3FA9]  }
0x28: {  	s2 =	sld [smem:$0x3FAA]  }
0x29: {  	s4 =	sld [smem:$0x3FAC]  }
0x2a: {  	p0 =	seq.s32 s5, $0x0;
	s5 =	sld [smem:$0x3FAD]  }
0x2b: {  	s6 =	sld [smem:$0x3FAE]  }
0x2c: {  	s7 =	sld [smem:$0x3FAF]  }
0x2d: {  	s3 =	simm.s32 $0x108;
	s8 =	sld [smem:$0x3FB0]  }
0x2e: {  	s3 =	simm.s32 @!p0 $0x1082;
	s9 =	sld [smem:$0x3FB1]  }
0x2f: {  	lr =	sadd.s32 s0, s3;
	s0 =	sld [smem:$0x3FA8]  }
0x30: {  	s3 =	sld [smem:$0x3FAB]  }
0x31: {  	[smem:$0x3FB4] =	sst s10  }
0x32: {  	s10 =	sld [smem:$0x3FB2];
	_ =	sdelay $0x3  }
0x33: {  	p0 =	seq.s32 s10, $0x1;
	s10 =	sld [smem:$0x3FB4];
	_ =	sdelay $0x3  }
0x34: {  	[smem:$0x3FB4] =	sst s10  }
0x35: {  	s10 =	sld [smem:$0x3FB3];
	_ =	sdelay $0x3  }
0x36: {  	p1 =	seq.s32 s10, $0x1;
	s10 =	sld [smem:$0x3FB4];
	_ =	sdelay $0x3  }
0x37: {  	[smem:$0x3FB4] =	sst s10  }
0x38: {  	s10 =	sld [smem:$0x3FB5]  }
0x39: {  	_ = 	snop;
	(pc) =	sbr.ind lr, $3  }
0x3a: {  	_ = 	snop  }
0x3b: {  	_ = 	snop  }
0x3c: {  	p2 =	seq.s32 s10, $0x1;
	s10 =	sld [smem:$0x3FB4]  }
0x3d: {  	_ =	shalt  }
0x3e: {  	_ =	shalt  }
0x3f: {  	_ =	shalt  }
0x40: {  	_ =	shalt  }
0x41: {  	_ =	shalt  }
0x42: {  	_ =	shalt  }
0x43: {  	_ =	shalt  }
0x44: {  	_ =	shalt  }
0x45: {  	_ =	shalt  }
0x46: {  	_ =	shalt  }
0x47: {  	_ =	shalt  }
0x48: {  	_ =	shalt  }
0x49: {  	_ =	shalt  }
0x4a: {  	_ =	shalt  }
0x4b: {  	_ =	shalt  }
0x4c: {  	_ =	shalt  }
0x4d: {  	_ =	shalt  }
0x4e: {  	_ =	shalt  }
0x4f: {  	_ =	shalt  }
0x50: {  	_ =	shalt  }
0x51: {  	_ =	shalt  }
0x52: {  	_ =	shalt  }
0x53: {  	_ =	shalt  }
0x54: {  	_ =	shalt  }
0x55: {  	_ =	shalt  }
0x56: {  	_ =	shalt  }
0x57: {  	_ =	shalt  }
0x58: {  	_ =	shalt  }
0x59: {  	_ =	shalt  }
0x5a: {  	_ =	shalt  }
0x5b: {  	_ =	shalt  }
0x5c: {  	_ =	shalt  }
0x5d: {  	_ =	shalt  }
0x5e: {  	_ =	shalt  }
0x5f: {  	_ =	shalt  }
0x60: {  	_ =	shalt  }
0x61: {  	_ =	shalt  }
0x62: {  	_ =	shalt  }
0x63: {  	_ =	shalt  }
0x64: {  	_ =	shalt  }
0x65: {  	_ =	shalt  }
0x66: {  	_ =	shalt  }
0x67: {  	_ =	shalt  }
0x68: {  	_ =	shalt  }
0x69: {  	_ =	shalt  }
0x6a: {  	_ =	shalt  }
0x6b: {  	_ =	shalt  }
0x6c: {  	_ =	shalt  }
0x6d: {  	_ =	shalt  }
0x6e: {  	_ =	shalt  }
0x6f: {  	_ =	shalt  }
0x70: {  	_ =	shalt  }
0x71: {  	_ =	shalt  }
0x72: {  	_ =	shalt  }
0x73: {  	_ =	shalt  }
0x74: {  	_ =	shalt  }
0x75: {  	_ =	shalt  }
0x76: {  	_ =	shalt  }
0x77: {  	_ =	shalt  }
0x78: {  	_ =	shalt  }
0x79: {  	_ =	shalt  }
0x7a: {  	_ =	shalt  }
0x7b: {  	_ =	shalt  }
0x7c: {  	_ =	shalt  }
0x7d: {  	_ =	shalt  }
0x7e: {  	_ =	shalt  }
0x7f: {  	_ =	shalt  }
0x80: {  	_ =	shalt  }
0x81: {  	_ =	shalt  }
0x82: {  	_ =	shalt  }
0x83: {  	_ =	shalt  }
0x84: {  	_ =	shalt  }
0x85: {  	_ =	shalt  }
0x86: {  	_ =	shalt  }
0x87: {  	_ =	shalt  }
.Lfunc_end0:
.L_simem_size_0:
called_computation_lowered:
.L_overlay_start_0:
0x88: {  	s2 =	sld [smem:$0x3FD9]  }
0x89: {  	s3 =	sld [smem:$0x3FFE];
	_ =	sdelay $0x1  }
0x8a: {  	s1 =	srdreg.scid  }
0x8b: {  	s0 =	sand.u32 $0x1, s1  }
0x8c: {  	s17 =	sshll.u32 s0, $0xA;
	s2 =	sadd.s32 s3, s2  }
0x8d: {  	s2 =	sadd.s32 s2, s17  }
0x8e: {  	[smem:$0x3FC0] =	sst s2  }
0x8f: {  	_ = 	snop  }
0x90: {  	s2 =	sld [smem:$0x3FD0];
	(tm) =	ssettm $0x1  }
0x91: {  	s18 =	sld [smem:$0x3FFB];
	_ =	sdelay $0x3  }
0x92: {  	_ =	strace s18  }
0x93: {  	s3 =	sld [smem:$0x3FFC];
	_ =	sdelay $0x3  }
0x94: {  	_ =	strace s3  }
0x95: {  	s3 =	sld [smem:$0x3FFD];
	_ =	sdelay $0x3  }
0x96: {  	_ =	strace s3  }
0x97: {  	_ =	strace $0x8FFFFFFF  }
0x98: {  	s19 =	sld [smem:$0x3FDB];
	_ =	sdelay $0x1  }
0x99: {  	s4 =	simm.s32 $_scs_section_size  }
0x9a: {  	s5 =	simm.s32 $_size__tile_overlayer_lowered;
	s6 =	simm.s32 $_tile_overlayer_lowered  }
0x9b: {  	s22 =	simm.s32 $0x1BFF;
	s21 =	sshll.u32 s6, $0x1;
	s3 =	sadd.s32 s4, s19  }
0x9c: {  	s7 =	simm.s32 $0x0;
	s20 =	sshll.u32 s5, $0x1;
	s5 =	sadd.s32 s21, s3  }
0x9d: {  	[timem:s7], [sflag:s22] =	dma.local [hbm:s5], s20  }
0x9e: {  	_ =	swait.ge [sflag:s22], s20  }
0x9f: {  	s4 =	ssub.s32 $0x0, s20;
	[sflag:s22] =	ssyncset.done $0x0  }
0xa0: {  	[sflag:s22] =	ssyncadd.s32 s4;
	_ =	sdelay $0x1  }
0xa1: {  	s23 =	simm.s32 $0x1B8B  }
0xa2: {  	_ =	swait.ge [sflag:s23], $0x1  }
0xa3: {  	[sflag:s23] =	ssyncset.done $0x0  }
0xa4: {  	s25 =	simm.s32 $0x1B8E;
	s24 =	sld [smem:$0x3FFE];
	[sflag:s23] =	ssyncadd.s32 $0xFFFFFFFF  }
0xa5: {  	s26 =	simm.s32 $execute0_lowered;
	[smem:$0x3FD2] =	sst s25  }
0xa6: {  	s5 =	sshll.u32 s26, $0x1;
	_ =	strace $0x80000046;
	[dreg:$0x1] =	wrdreg $0xFFFFFFFF  }
0xa7: {  	s28 =	simm.s32 $_size_execute0_lowered;
	s3 =	sadd.s32 s3, s5;
	[dreg:$0x0] =	wrdreg $0x0  }
0xa8: {  	s5 =	sshll.u32 s28, $0x1;
	[dreg:$0x2] =	wrdreg s3  }
0xa9: {  	[dreg:$0x3] =	wrdreg s5  }
0xaa: {  	[dreg:$0x4] =	wrdreg $0xC0  }
0xab: {  	_ =	task [dreg:s7], $0x5FFFF  }
0xac: {  	[dreg:$0x1] =	wrdreg $0xFFFFFFFF  }
0xad: {  	[dreg:$0x0] =	wrdreg $0x60  }
0xae: {  	[dreg:$0x2] =	wrdreg s24  }
0xaf: {  	[dreg:$0x3] =	wrdreg s2  }
0xb0: {  	[dreg:$0x4] =	wrdreg $0xAD000  }
0xb1: {  	[dreg:$0x5] =	wrdreg $0x1E9000  }
0xb2: {  	[dreg:$0x6] =	wrdreg $0x9  }
0xb3: {  	_ =	task.clear_ibuf [dreg:s7], $0x7FFFF;
	_ =	strace $0x90000046  }
0xb4: {  	s29 =	simm.s32 $0x9;
	_ =	strace $0x80000048  }
0xb5: {  	_ =	swait.ge [sflag:s29], $0x1  }
0xb6: {  	[sflag:s29] =	ssyncadd.s32 $0xFFFFFFFF  }
0xb7: {  	_ =	strace $0x90000048  }
0xb8: {  	_ =	sfence  }
0xb9: {  	s30 =	sld [smem:$0x0];
	_ =	sdelay $0x2  }
0xba: {  	s31 =	sshll.u32 s1, $0xD;
	s1 =	sshrl.u32 s1, $0x2  }
0xbb: {  	s3 =	sand.u32 $0x4000, s31;
	s1 =	sadd.s32 s1, s30  }
0xbc: {  	s0 =	sor.u32 s3, s0;
	s1 =	sshll.u32 s1, $0x11  }
0xbd: {  	s0 =	sor.u32 s1, s0  }
0xbe: {  	s0 =	sadd.s32 $0x8F2B, s0  }
0xbf: {  	[sflag:s0] =	ssyncadd.remote.s32 $0x1  }
0xc0: {  	_ =	sfence.sel $0xFFFF  }
0xc1: {  	[dreg:$0x0] =	wrdreg $0xFFFFFFFF;
	(pc) =	sbr.abs _section_cstart, $3  }
0xc2: {  	[dreg:$0x1] =	wrdreg $0xFFFFFFFF  }
0xc3: {  	_ =	task.clear_ibuf [dreg:s7], $0x2FFFF;
	_ =	strace $0x9FFFFFFF  }
0xc4: {  	(tm) =	ssettm $0x7FFFFFFF  }
0xc5: {  	_ =	shalt  }
tec
execute0_lowered:
.L_overlay_start_1:
0x0: {  	(tag) =	ssettag $0x1  }
0x1: {  	s0 =	rddreg [dreg:$0x0]  }
0x2: {  	s1 =	rddreg [dreg:$0x1]  }
0x3: {  	s2 =	rddreg [dreg:$0x2];
	s14 =	stileid.u32  }
0x4: {  	s4 =	srdreg.scid;
	s6 =	smul.u32 $0x13C00, s14  }
0x5: {  	s3 =	rddreg [dreg:$0x3];
	s8 =	smul.u32 $0x500, s14  }
0x6: {  	s28 =	simm.s32 $0x5;
	s30 =	simm.s32 $0x80;
	s24 =	smul.u32 $0x4F000, s14  }
0x7: {  	s31 =	simm.s32 $0x200;
	s29 =	simm.s32 $0x4200;
	s13 =	smul.u32 $0xA00, s14  }
0x8: {  	s7 =	sand.u32 $0x1, s4;
	s4 =	simm.s32 $0x0;
	s19 =	smul.u32 $0x2800, s14  }
0x9: {  	s10 =	sadd.s32 $0x2E00, s0;
	s5 =	smul.u32 $0x13C000, s7;
	[smem:$0x7FF] =	sst s4  }
0xa: {  	s9 =	sshll.u32 s7, $0x7;
	s23 =	ssub.s32 $0x2, s7;
	s12 =	sshll.u32 s7, $0x4  }
0xb: {  	s7 =	smul.u32 $0x28000, s7;
	_ =	strace $0x80000047;
	s22 =	sor.u32 s9, s8  }
0xc: {  	s25 =	sshrl.u32 s23, $0x1;
	s12 =	sor.u32 s14, s12;
	s9 =	sshrl.u32 s24, $0x2  }
0xd: {  	s13 =	sshrl.u32 s13, $0x2;
	s6 =	sadd.s32 s6, s5;
	s5 =	sadd.s32 $0xCE00, s0  }
0xe: {  	s8 =	ssub.s32 s23, s25;
	s26 =	smul.u32 $0x2800, s12;
	s6 =	sshrl.u32 s6, $0x3  }
0xf: {  	s7 =	sadd.s32 s19, s7;
	s11 =	sadd.s32 s6, s0;
	s6 =	sshrl.u32 s22, $0x3  }
0x10: {  	s24 =	sor.u32 $0x180, s7;
	s0 =	sadd.s32 s6, s0;
	s6 =	sadd.s32 s9, s2  }
0x11: {  	s7 =	sor.u32 $0x100, s7;
	s12 =	sshrl.u32 s24, $0x3;
	s15 =	sadd.s32 $0x2780, s6  }
0x12: {  	s7 =	sshrl.u32 s7, $0x3;
	s16 =	sadd.s32 $0x4F00, s6;
	[dreg:$0x5] =	wrdreg s15  }
0x13: {  	s9 =	sshrl.u32 s26, $0x3;
	s17 =	sadd.s32 $0x7680, s6;
	[dreg:$0x6] =	wrdreg s16  }
0x14: {  	s19 =	sadd.s32 s7, s1;
	s18 =	sadd.s32 $0x9E00, s6;
	[dreg:$0x7] =	wrdreg s17  }
0x15: {  	s20 =	sadd.s32 $0xC580, s6;
	s21 =	sadd.s32 $0xED00, s6;
	[dreg:$0x8] =	wrdreg s18  }
0x16: {  	s22 =	sadd.s32 s10, s9;
	s23 =	sadd.s32 s1, s9;
	[dreg:$0x9] =	wrdreg s20  }
0x17: {  	s9 =	sor.u32 $0x10, s9;
	s26 =	sadd.s32 $0x11480, s6;
	[dreg:$0xa] =	wrdreg s21  }
0x18: {  	s24 =	sadd.s32 $0x34600, s0;
	s0 =	simm.s32 $0x100;
	[dreg:$0xb] =	wrdreg s22  }
0x19: {  	[dreg:$0xc] =	wrdreg s23;
	s25 =	sadd.s32 s10, s9;
	s9 =	sadd.s32 s1, s9  }
0x1a: {  	s17 =	sadd.s32 s12, s1;
	s18 =	sadd.s32 s12, s10;
	s20 =	sadd.s32 s7, s10  }
.Ltmp0:
0x1b: {  	[dreg:$0xf] =	wrdreg s26;
	s22 =	sadd.s32 s13, s3;
	(pc) =	sbr.rel .LBB2_1-.Ltmp0, $4  }
0x1c: {  	s23 =	sadd.s32 $0x35000, s11;
	s26 =	simm.s32 $0x8500;
	s1 =	simm.s32 $0x180  }
0x1d: {  	s7 =	simm.s32 $0x1;
	s10 =	simm.s32 $0x3;
	[dreg:$0xd] =	wrdreg s25  }
0x1e: {  	s11 =	simm.s32 $0x4;
	s12 =	simm.s32 $0x0;
	[dreg:$0xe] =	wrdreg s9  }
0x1f: {  	v0 =	vimm.f32 $0.0e+00;
	v1 =	vimm.f32 $1.000000000e+00;
	s25 =	smax.u32 s8, $0x1;
	s8 =	simm.s32 $0x8200;
	s9 =	simm.s32 $0x2  }
.LBB2_6:
0x20: {  	_ =	swait.ge [sflag:s10], $0x4000  }
0x21: {  	[sflag:s10] =	ssyncset.done $0x0  }
0x22: {  	[sflag:s10] =	ssyncadd.s32 $0xFFFFC000  }
0x23: {  	_ =	swait.ge [sflag:s11], $0x80  }
0x24: {  	s13 =	stileid.u32;
	[sflag:s11] =	ssyncset.done $0x0  }
0x25: {  	s13 =	sshll.u32 s13, $0x6;
	[sflag:s11] =	ssyncadd.s32 $0xFFFFFF80  }
0x26: {  	s14 =	sshrl.u32 s6, $0x3;
	s13 =	sor.u32 $0x1C05, s13;
	[bflag:$0x0] =	sbarrier.arrive $0xFFFF  }
0x27: {  	[hbm:s23], [sflag:s13] =	dma.local [spmem:s14], $0x2780  }
0x28: {  	s21 =	sshrl.u32 s22, $0x3;
	s12 =	sadd.s32 $0x1, s12;
	_ =	swait.ge [sflag:s28], $0x2780  }
0x29: {  	s15 =	simm.s32 $0x20;
	p0 =	sne.s32 s12, s25;
	[sflag:s28] =	ssyncset.done $0x0  }
.Ltmp1:
0x2a: {  	s16 =	simm.s32 $0x10;
	[sflag:s28] =	ssyncadd.s32 $0xFFFFD880;
	(pc) =	sbr.rel @!p0 .LBB2_7-.Ltmp1, $4  }
0x2b: {  	[hbm:s24@s15], [sflag:s13] =	dma.strided [spmem:s21@s16], $0x50, s7, $0x10   }
0x2c: {  	_ =	swait.ge [sflag:s28], $0x50  }
0x2d: {  	[sflag:s28] =	ssyncset.done $0x0  }
0x2e: {  	[sflag:s28] =	ssyncadd.s32 $0xFFFFFFB0  }
.LBB2_1:
0x2f: {  	s13 =	simm.s32 $0x0;
	s14 =	simm.s32 $0x200  }
.LBB2_2:
0x30: {  	p0 =	sne.s32 s14, $0x9C00;
	[tilespmem:s13+$0x8570] =	vst v0  }
0x31: {  	[tilespmem:s13+$0x8500] =	vst v0  }
0x32: {  	[tilespmem:s13+$0x8510] =	vst v0  }
.Ltmp2:
0x33: {  	[tilespmem:s13+$0x8520] =	vst v0;
	(pc) =	sbr.rel @p0 .LBB2_2-.Ltmp2, $4  }
0x34: {  	[tilespmem:s13+$0x8530] =	vst v0  }
0x35: {  	[tilespmem:s13+$0x8540] =	vst v0  }
0x36: {  	[tilespmem:s13+$0x8550] =	vst v0  }
0x37: {  	[tilespmem:s13+$0x8560] =	vst v0;
	s13 =	sshra.s32 s14, $0x2;
	s14 =	sadd.s32 $0x200, s14  }
0x38: {  	[tilespmem:s13+$0x8570] =	vst v0  }
0x39: {  	[tilespmem:s13+$0x8500] =	vst v0  }
0x3a: {  	[tilespmem:s13+$0x8510] =	vst v0  }
0x3b: {  	[tilespmem:s13+$0x8520] =	vst v0  }
0x3c: {  	[tilespmem:s13+$0x8530] =	vst v0  }
0x3d: {  	[tilespmem:s13+$0x8540] =	vst v0  }
0x3e: {  	[tilespmem:s13+$0x8550] =	vst v0  }
0x3f: {  	[tilespmem:s13+$0x8560] =	vst v0  }
0x40: {  	[tilespmem:$0x8200] =	vst v1  }
0x41: {  	[tilespmem:$0x8210] =	vst v1  }
0x42: {  	[tilespmem:$0x8220] =	vst v1  }
0x43: {  	[tilespmem:$0x8230] =	vst v1  }
0x44: {  	[tilespmem:$0x8240] =	vst v1  }
0x45: {  	[tilespmem:$0x8250] =	vst v1  }
0x46: {  	[tilespmem:$0x8260] =	vst v1  }
0x47: {  	[tilespmem:$0x8270] =	vst v1  }
0x48: {  	[tilespmem:$0x8280] =	vst v0  }
0x49: {  	[tilespmem:$0x8290] =	vst v0  }
0x4a: {  	[tilespmem:$0x82A0] =	vst v0  }
0x4b: {  	[tilespmem:$0x82B0] =	vst v0  }
0x4c: {  	[tilespmem:$0x82C0] =	vst v0  }
0x4d: {  	[tilespmem:$0x82D0] =	vst v0  }
0x4e: {  	[tilespmem:$0x82E0] =	vst v0  }
0x4f: {  	[tilespmem:$0x82F0] =	vst v0  }
0x50: {  	[tilespmem:$0x8300] =	vst v0  }
0x51: {  	[tilespmem:$0x8310] =	vst v0  }
0x52: {  	[tilespmem:$0x8320] =	vst v0  }
0x53: {  	[tilespmem:$0x8330] =	vst v0  }
0x54: {  	[tilespmem:$0x8340] =	vst v0  }
0x55: {  	[tilespmem:$0x8350] =	vst v0  }
0x56: {  	[tilespmem:$0x8360] =	vst v0  }
0x57: {  	[tilespmem:$0x8370] =	vst v0  }
0x58: {  	[tilespmem:$0x8380] =	vst v0  }
0x59: {  	[tilespmem:$0x8390] =	vst v0  }
0x5a: {  	[tilespmem:$0x83A0] =	vst v0  }
0x5b: {  	[tilespmem:$0x83B0] =	vst v0  }
0x5c: {  	[tilespmem:$0x83C0] =	vst v0  }
0x5d: {  	[tilespmem:$0x83D0] =	vst v0  }
0x5e: {  	[tilespmem:$0x83E0] =	vst v0  }
0x5f: {  	[tilespmem:$0x83F0] =	vst v0  }
0x60: {  	[tilespmem:$0x8400] =	vst v0  }
0x61: {  	[tilespmem:$0x8410] =	vst v0  }
0x62: {  	[tilespmem:$0x8420] =	vst v0  }
0x63: {  	[tilespmem:$0x8430] =	vst v0  }
0x64: {  	[tilespmem:$0x8440] =	vst v0  }
0x65: {  	[tilespmem:$0x8450] =	vst v0  }
0x66: {  	[tilespmem:$0x8460] =	vst v0  }
0x67: {  	[tilespmem:$0x8470] =	vst v0  }
0x68: {  	[tilespmem:$0x8480] =	vst v0  }
0x69: {  	[tilespmem:$0x8490] =	vst v0  }
0x6a: {  	[tilespmem:$0x84A0] =	vst v0  }
0x6b: {  	[tilespmem:$0x84B0] =	vst v0  }
0x6c: {  	[tilespmem:$0x84C0] =	vst v0  }
0x6d: {  	[tilespmem:$0x84D0] =	vst v0  }
0x6e: {  	[tilespmem:$0x84E0] =	vst v0  }
0x6f: {  	[tilespmem:$0x84F0] =	vst v0  }
0x70: {  	[spmem:s6] =	stream.linear.scatter [tilespmem:s26], [sflag:$0x5], $0x2780, $0x38;
	[tilespmem:$0x1EB80] =	vst v63  }
0x71: {  	_ =	swait.ge [sflag:s28], $0x2780  }
0x72: {  	[sflag:s28] =	ssyncset.done $0x0  }
0x73: {  	s15 =	rddreg [dreg:$0x5];
	[sflag:s28] =	ssyncadd.s32 $0xFFFFD880  }
0x74: {  	[spmem:s15] =	stream.linear.scatter [tilespmem:s26], [sflag:$0x5], $0x2780, $0x38;
	[tilespmem:$0x1EB80] =	vst v63  }
0x75: {  	_ =	swait.ge [sflag:s28], $0x2780  }
0x76: {  	[sflag:s28] =	ssyncset.done $0x0  }
0x77: {  	s16 =	rddreg [dreg:$0x6];
	[sflag:s28] =	ssyncadd.s32 $0xFFFFD880  }
0x78: {  	[spmem:s16] =	stream.linear.scatter [tilespmem:s26], [sflag:$0x5], $0x2780, $0x38;
	[tilespmem:$0x1EB80] =	vst v63  }
0x79: {  	_ =	swait.ge [sflag:s28], $0x2780  }
0x7a: {  	[sflag:s28] =	ssyncset.done $0x0  }
0x7b: {  	s21 =	rddreg [dreg:$0x7];
	[sflag:s28] =	ssyncadd.s32 $0xFFFFD880  }
0x7c: {  	[spmem:s21] =	stream.linear.scatter [tilespmem:s26], [sflag:$0x5], $0x2780, $0x38;
	[tilespmem:$0x1EB80] =	vst v63  }
0x7d: {  	_ =	swait.ge [sflag:s28], $0x2780  }
0x7e: {  	[sflag:s28] =	ssyncset.done $0x0  }
0x7f: {  	s14 =	rddreg [dreg:$0x8];
	[sflag:s28] =	ssyncadd.s32 $0xFFFFD880  }
0x80: {  	[spmem:s14] =	stream.linear.scatter [tilespmem:s26], [sflag:$0x5], $0x2780, $0x38;
	[tilespmem:$0x1EB80] =	vst v63  }
0x81: {  	_ =	swait.ge [sflag:s28], $0x2780  }
0x82: {  	[sflag:s28] =	ssyncset.done $0x0  }
0x83: {  	s15 =	rddreg [dreg:$0x9];
	[sflag:s28] =	ssyncadd.s32 $0xFFFFD880  }
0x84: {  	[spmem:s15] =	stream.linear.scatter [tilespmem:s26], [sflag:$0x5], $0x2780, $0x38;
	[tilespmem:$0x1EB80] =	vst v63  }
0x85: {  	_ =	swait.ge [sflag:s28], $0x2780  }
0x86: {  	[sflag:s28] =	ssyncset.done $0x0  }
0x87: {  	s16 =	rddreg [dreg:$0xa];
	[sflag:s28] =	ssyncadd.s32 $0xFFFFD880  }
0x88: {  	[spmem:s16] =	stream.linear.scatter [tilespmem:s26], [sflag:$0x5], $0x2780, $0x38;
	[tilespmem:$0x1EB80] =	vst v63  }
0x89: {  	_ =	swait.ge [sflag:s28], $0x2780  }
0x8a: {  	[sflag:s28] =	ssyncset.done $0x0  }
0x8b: {  	s21 =	rddreg [dreg:$0xf];
	[sflag:s28] =	ssyncadd.s32 $0xFFFFD880  }
0x8c: {  	[spmem:s21] =	stream.linear.scatter [tilespmem:s26], [sflag:$0x5], $0x2780, $0x38;
	[tilespmem:$0x1EB80] =	vst v63  }
0x8d: {  	_ =	swait.ge [sflag:s28], $0x2780  }
0x8e: {  	[sflag:s28] =	ssyncset.done $0x0  }
0x8f: {  	s14 =	simm.s32 $0x8280;
	[sflag:s28] =	ssyncadd.s32 $0xFFFFD880  }
0x90: {  	[spmem:s22] =	stream.linear.scatter [tilespmem:s14], [sflag:$0x5], $0x280, $0x38;
	[tilespmem:$0x1EB80] =	vst v63  }
0x91: {  	_ =	swait.ge [sflag:s28], $0x280  }
0x92: {  	[sflag:s28] =	ssyncset.done $0x0  }
0x93: {  	[sflag:s28] =	ssyncadd.s32 $0xFFFFFD80  }
0x94: {  	[bflag:$0x0] =	sbarrier.arrive $0xFFFF  }
0x95: {  	s13 =	simm.s32 $0x0;
	s14 =	rddreg [dreg:$0xb]  }
0x96: {  	[tilespmem:s13], [sflag:$0x5] =	stream.linear.gather [hbm4b:s14+s13], $0x80, $0x38;
	[tilespmem:$0x1EB80] =	vst v63  }
0x97: {  	_ =	swait.ge [sflag:s28], $0x80  }
0x98: {  	[sflag:s28] =	ssyncset.done $0x0  }
0x99: {  	s15 =	rddreg [dreg:$0xc];
	[sflag:s28] =	ssyncadd.s32 $0xFFFFFF80  }
0x9a: {  	[tilespmem:s30], [sflag:$0x5] =	stream.linear.gather [hbm4b:s15+s13], $0x80, $0x38;
	[tilespmem:$0x1EB80] =	vst v63  }
0x9b: {  	_ =	swait.ge [sflag:s28], $0x80  }
0x9c: {  	[sflag:s28] =	ssyncset.done $0x0  }
0x9d: {  	[sflag:s28] =	ssyncadd.s32 $0xFFFFFF80  }
0x9e: {  	[tilespmem:s31], [sflag:$0x1] =	stream.indirect.gather [hbm4b:s5+s30], $0x80, s13, s30, $0xb8;
	[tilespmem:$0x1EB80] =	vst v63  }
0x9f: {  	s16 =	rddreg [dreg:$0xd]  }
0xa0: {  	[tilespmem:s0], [sflag:$0x5] =	stream.linear.gather [hbm4b:s16+s13], $0x80, $0x38;
	[tilespmem:$0x1EB80] =	vst v63  }
0xa1: {  	_ =	swait.ge [sflag:s28], $0x80  }
0xa2: {  	[sflag:s28] =	ssyncset.done $0x0  }
0xa3: {  	s21 =	rddreg [dreg:$0xe];
	[sflag:s28] =	ssyncadd.s32 $0xFFFFFF80  }
0xa4: {  	[tilespmem:s1], [sflag:$0x5] =	stream.linear.gather [hbm4b:s21+s13], $0x80, $0x38;
	[tilespmem:$0x1EB80] =	vst v63  }
0xa5: {  	_ =	swait.ge [sflag:s28], $0x80  }
0xa6: {  	[sflag:s28] =	ssyncset.done $0x0  }
0xa7: {  	[sflag:s28] =	ssyncadd.s32 $0xFFFFFF80  }
0xa8: {  	[tilespmem:s29], [sflag:$0x2] =	stream.indirect.gather [hbm4b:s5+s30], $0x80, s0, s30, $0xb8;
	[tilespmem:$0x1EB80] =	vst v63  }
.LBB2_4:
0xa9: {  	_ =	swait.ge [sflag:s7], $0x4000  }
0xaa: {  	[sflag:s7] =	ssyncset.done $0x0  }
0xab: {  	p0 =	seq.s32 s13, $0x4E0;
	[sflag:s7] =	ssyncadd.s32 $0xFFFFC000  }
0xac: {  	[spmem:s3] =	stream.indirect.scatter.add.f32 [tilespmem:s8], [sflag:$0x4], $0x1, s30, s30, $0xb8;
	[tilespmem:$0x1EB80] =	vst v63  }
0xad: {  	s14 =	simm.s32 @p0 $0x3  }
0xae: {  	[spmem:s2] =	stream.indirect.scatter.add.f32 [tilespmem:s31], [sflag:$0x3], $0x80, s30, s30, $0xb8;
	[tilespmem:$0x1EB80] =	vst v63  }
0xaf: {  	_ =	swait.ge @p0 [sflag:s14], $0x4000  }
0xb0: {  	[sflag:s14] =	ssyncset.done @p0 $0x0  }
0xb1: {  	[sflag:s14] =	ssyncadd.s32 @p0 $0xFFFFC000;
	s14 =	simm.s32 @p0 $0x4  }
0xb2: {  	_ =	swait.ge @p0 [sflag:s14], $0x80  }
0xb3: {  	[sflag:s14] =	ssyncset.done @p0 $0x0  }
0xb4: {  	s15 =	simm.s32 @!p0 $0x0;
	[sflag:s14] =	ssyncadd.s32 @p0 $0xFFFFFF80;
	s14 =	sadd.s32 @!p0 s13, s20  }
0xb5: {  	[tilespmem:s15], [sflag:$0x5] =	stream.linear.gather @!p0 [hbm4b:s14+s15], $0x80, $0x38;
	[tilespmem:$0x1EB80] =	vst v63  }
0xb6: {  	s14 =	simm.s32 @!p0 $0x5  }
0xb7: {  	_ =	swait.ge @!p0 [sflag:s14], $0x80  }
0xb8: {  	[sflag:s14] =	ssyncset.done @!p0 $0x0  }
0xb9: {  	s16 =	simm.s32 @!p0 $0x3;
	[sflag:s14] =	ssyncadd.s32 @!p0 $0xFFFFFF80  }
0xba: {  	_ =	swait.ge @!p0 [sflag:s16], $0x4000  }
0xbb: {  	[sflag:s16] =	ssyncset.done @!p0 $0x0  }
0xbc: {  	[sflag:s16] =	ssyncadd.s32 @!p0 $0xFFFFC000;
	s16 =	simm.s32 @!p0 $0x4  }
0xbd: {  	_ =	swait.ge @!p0 [sflag:s16], $0x80  }
0xbe: {  	[sflag:s16] =	ssyncset.done @!p0 $0x0  }
0xbf: {  	s21 =	simm.s32 @!p0 $0x80;
	[sflag:s16] =	ssyncadd.s32 @!p0 $0xFFFFFF80;
	s16 =	sadd.s32 @!p0 s13, s19  }
0xc0: {  	[tilespmem:s21], [sflag:$0x5] =	stream.linear.gather @!p0 [hbm4b:s16+s15], $0x80, $0x38;
	[tilespmem:$0x1EB80] =	vst v63  }
0xc1: {  	_ =	swait.ge @!p0 [sflag:s14], $0x80  }
0xc2: {  	[sflag:s14] =	ssyncset.done @!p0 $0x0  }
0xc3: {  	[sflag:s14] =	ssyncadd.s32 @!p0 $0xFFFFFF80;
	s14 =	simm.s32 @!p0 $0x200  }
0xc4: {  	[tilespmem:s14], [sflag:$0x1] =	stream.indirect.gather @!p0 [hbm4b:s5+s21], $0x80, s15, s21, $0xb8;
	[tilespmem:$0x1EB80] =	vst v63  }
0xc5: {  	_ =	swait.ge [sflag:s9], $0x4000  }
.Ltmp3:
0xc6: {  	[sflag:s9] =	ssyncset.done $0x0;
	(pc) =	sbr.rel @p0 .LBB2_6-.Ltmp3, $4  }
0xc7: {  	[sflag:s9] =	ssyncadd.s32 $0xFFFFC000  }
0xc8: {  	[spmem:s3] =	stream.indirect.scatter.add.f32 [tilespmem:s8], [sflag:$0x4], $0x1, s1, s30, $0xb8;
	[tilespmem:$0x1EB80] =	vst v63  }
0xc9: {  	_ = 	snop  }
0xca: {  	[spmem:s2] =	stream.indirect.scatter.add.f32 [tilespmem:s29], [sflag:$0x3], $0x80, s1, s30, $0xb8;
	[tilespmem:$0x1EB80] =	vst v63  }
0xcb: {  	s14 =	sadd.s32 s13, s18  }
0xcc: {  	[tilespmem:s0], [sflag:$0x5] =	stream.linear.gather [hbm4b:s14+s4], $0x80, $0x38;
	[tilespmem:$0x1EB80] =	vst v63  }
0xcd: {  	_ =	swait.ge [sflag:s28], $0x80  }
0xce: {  	[sflag:s28] =	ssyncset.done $0x0  }
0xcf: {  	[sflag:s28] =	ssyncadd.s32 $0xFFFFFF80  }
0xd0: {  	_ =	swait.ge [sflag:s10], $0x4000  }
0xd1: {  	[sflag:s10] =	ssyncset.done $0x0  }
0xd2: {  	[sflag:s10] =	ssyncadd.s32 $0xFFFFC000  }
0xd3: {  	_ =	swait.ge [sflag:s11], $0x80  }
0xd4: {  	[sflag:s11] =	ssyncset.done $0x0  }
0xd5: {  	s21 =	sadd.s32 s13, s17;
	[sflag:s11] =	ssyncadd.s32 $0xFFFFFF80  }
0xd6: {  	[tilespmem:s1], [sflag:$0x5] =	stream.linear.gather [hbm4b:s21+s4], $0x80, $0x38;
	[tilespmem:$0x1EB80] =	vst v63  }
.Ltmp4:
0xd7: {  	_ = 	snop;
	(pc) =	sbr.rel .LBB2_4-.Ltmp4, $4  }
0xd8: {  	_ =	swait.ge [sflag:s28], $0x80  }
0xd9: {  	[sflag:s28] =	ssyncset.done $0x0  }
0xda: {  	s13 =	sadd.s32 $0x20, s13;
	[sflag:s28] =	ssyncadd.s32 $0xFFFFFF80  }
0xdb: {  	[tilespmem:s29], [sflag:$0x2] =	stream.indirect.gather [hbm4b:s5+s30], $0x80, s0, s30, $0xb8;
	[tilespmem:$0x1EB80] =	vst v63  }
.LBB2_7:
0xdc: {  	_ =	sfence.sel $0x180000  }
0xdd: {  	[bflag:$0x0] =	sbarrier.arrive $0xFFFF  }
0xde: {  	_ =	strace $0x90000047  }
0xdf: {  	s0 =	stileid.u32;
	[bflag:$0x2] =	sbarrier.arrive $0xFFFF  }
0xe0: {  	p0 =	sne.s32 s0, $0x0;
	s0 =	rddreg [dreg:$0x4]  }
0xe1: {  	s0 =	sadd.s32 @!p0 $0x100000, s0  }
0xe2: {  	[sflag:s0] =	ssyncadd.tile.s32 @!p0 $0x1;
	_ =	shalt  }
.Lfunc_end2:
_tile_overlayer_lowered:
.L_overlay_start_2:
0xe3: {  	(tag) =	ssettag $0x2  }
0xe4: {  	s0 =	rddreg [dreg:$0x0];
	s2 =	stileid.u32  }
0xe5: {  	s1 =	rddreg [dreg:$0x1];
	p0 =	sne.s32 s2, $0x0  }
0xe6: {  	s3 =	rddreg [dreg:$0x2];
	[bflag:$0x3] =	sbarrier.arrive $0xFFFF;
	s2 =	simm.s32 @!p0 $0x1C05  }
0xe7: {  	[timem:s3], [sflag:s2] =	dma.local @!p0 [hbm:s0], s1  }
0xe8: {  	s0 =	simm.s32 @!p0 $0x5  }
0xe9: {  	_ =	swait.ge @!p0 [sflag:s0], s1  }
0xea: {  	s1 =	ssub.s32 @!p0 $0x0, s1;
	[sflag:s0] =	ssyncset.done @!p0 $0x0  }
0xeb: {  	[sflag:s0] =	ssyncadd.s32 @!p0 s1  }
0xec: {  	[bflag:$0x3] =	sbarrier.arrive $0xFFFF  }
0xed: {  	_ =	shalt  }

// kernel: kernel.9.cloned.1.call-start
scs
__scs_entry_jumppad:
0x0: {  	(pc) =	sbr.rel $0x88, $3  }
0x1: {  	(tag) =	ssettag $0x0;
	lr =	simm.s32 $0x1  }
0x2: {  	[smem:$0x3F99] =	sst lr;
	_ =	strace $0xD0000000  }
0x3: {  	_ = 	snop  }
0x4: {  	_ = 	snop  }
0x5: {  	_ = 	snop  }
0x6: {  	_ = 	snop  }
0x7: {  	_ = 	snop  }
__scs_overlays_trampoline_lowered:
0x8: {  	[smem:$0x3FA8] =	sst s0  }
0x9: {  	[smem:$0x3FA9] =	sst s1  }
0xa: {  	[smem:$0x3FAA] =	sst s2  }
0xb: {  	[smem:$0x3FAB] =	sst s3  }
0xc: {  	[smem:$0x3FAC] =	sst s4  }
0xd: {  	[smem:$0x3FAD] =	sst s5  }
0xe: {  	[smem:$0x3FAE] =	sst s6  }
0xf: {  	[smem:$0x3FAF] =	sst s7  }
0x10: {  	[smem:$0x3FB0] =	sst s8  }
0x11: {  	[smem:$0x3FB1] =	sst s9;
	s0 =	simm.s32 @!p0 $0x0  }
0x12: {  	s1 =	sld [smem:$0x3F97];
	s0 =	simm.s32 @p0 $0x1  }
0x13: {  	[smem:$0x3FB2] =	sst s0;
	s0 =	simm.s32 @!p1 $0x0  }
0x14: {  	s2 =	sld [smem:$0x3F96];
	s0 =	simm.s32 @p1 $0x1  }
0x15: {  	[smem:$0x3FB3] =	sst s0;
	s0 =	simm.s32 @!p2 $0x0  }
0x16: {  	s3 =	sld [smem:$0x3FDB];
	s0 =	simm.s32 @p2 $0x1  }
0x17: {  	s4 =	simm.s32 $0x1BF5;
	[smem:$0x3FB5] =	sst s0  }
0x18: {  	s0 =	sld [smem:$0x3F98];
	_ =	swait.ge [sflag:s4], $0x0  }
0x19: {  	s7 =	sld [smem:$0x3F99]  }
0x1a: {  	s8 =	sadd.s32 $0xFFFFE003, lr  }
0x1b: {  	s9 =	sadd.s32 $0xFFFFFEF7, lr;
	s5 =	simm.s32 $0xFFFFFFFF;
	p2 =	slt.u32 s8, $0xFFFFF086  }
0x1c: {  	p1 =	slt.u32 s9, $0xF7A;
	s5 =	simm.s32 @!p2 $0x0  }
0x1d: {  	s5 =	simm.s32 @p1 $0x1;
	p0 =	seq.s32 s7, s2  }
0x1e: {  	s7 =	smul.u32 @!p0 $0xF7A, s2;
	p2 =	seq.s32 @!p0 s5, $0x0  }
0x1f: {  	s9 =	smul.u32 $0xF7A, s1;
	s8 =	simm.s32 @!p0 $0x1BF5;
	p2 =	por !p2, p0  }
0x20: {  	[sflag:s8] =	ssyncset.s32 @!p0 $0xFFFFF086;
	s6 =	sadd.s32 @!p0 s3, s7;
	s7 =	simm.s32 @!p0 $0x108  }
0x21: {  	s3 =	sadd.s32 s3, s9;
	s6 =	sadd.s32 @!p0 $0x88, s6;
	s7 =	simm.s32 @p2 $0x1082  }
0x22: {  	[simem:s7], [sflag:s8] =	dma.local @!p0 [hbm:s6], $0xF7A  }
0x23: {  	s9 =	sor.u32 $0xD0000000, s2;
	s6 =	simm.s32 $0x108;
	_ =	swait.ge @!p0 [sflag:s8], $0x0  }
0x24: {  	s3 =	sadd.s32 $0x88, s3;
	s6 =	simm.s32 @!p1 $0x1082;
	[sflag:s4] =	ssyncset.s32 $0xFFFFF086  }
0x25: {  	[simem:s6], [sflag:s4] =	dma.local [hbm:s3], $0xF7A  }
0x26: {  	[smem:$0x3F99] =	sst s1;
	(tag) =	ssettag s2;
	_ =	strace s9  }
0x27: {  	s1 =	sld [smem:$0x3FA9]  }
0x28: {  	s2 =	sld [smem:$0x3FAA]  }
0x29: {  	s4 =	sld [smem:$0x3FAC]  }
0x2a: {  	p0 =	seq.s32 s5, $0x0;
	s5 =	sld [smem:$0x3FAD]  }
0x2b: {  	s6 =	sld [smem:$0x3FAE]  }
0x2c: {  	s7 =	sld [smem:$0x3FAF]  }
0x2d: {  	s3 =	simm.s32 $0x108;
	s8 =	sld [smem:$0x3FB0]  }
0x2e: {  	s3 =	simm.s32 @!p0 $0x1082;
	s9 =	sld [smem:$0x3FB1]  }
0x2f: {  	lr =	sadd.s32 s0, s3;
	s0 =	sld [smem:$0x3FA8]  }
0x30: {  	s3 =	sld [smem:$0x3FAB]  }
0x31: {  	[smem:$0x3FB4] =	sst s10  }
0x32: {  	s10 =	sld [smem:$0x3FB2];
	_ =	sdelay $0x3  }
0x33: {  	p0 =	seq.s32 s10, $0x1;
	s10 =	sld [smem:$0x3FB4];
	_ =	sdelay $0x3  }
0x34: {  	[smem:$0x3FB4] =	sst s10  }
0x35: {  	s10 =	sld [smem:$0x3FB3];
	_ =	sdelay $0x3  }
0x36: {  	p1 =	seq.s32 s10, $0x1;
	s10 =	sld [smem:$0x3FB4];
	_ =	sdelay $0x3  }
0x37: {  	[smem:$0x3FB4] =	sst s10  }
0x38: {  	s10 =	sld [smem:$0x3FB5]  }
0x39: {  	_ = 	snop;
	(pc) =	sbr.ind lr, $3  }
0x3a: {  	_ = 	snop  }
0x3b: {  	_ = 	snop  }
0x3c: {  	p2 =	seq.s32 s10, $0x1;
	s10 =	sld [smem:$0x3FB4]  }
0x3d: {  	_ =	shalt  }
0x3e: {  	_ =	shalt  }
0x3f: {  	_ =	shalt  }
0x40: {  	_ =	shalt  }
0x41: {  	_ =	shalt  }
0x42: {  	_ =	shalt  }
0x43: {  	_ =	shalt  }
0x44: {  	_ =	shalt  }
0x45: {  	_ =	shalt  }
0x46: {  	_ =	shalt  }
0x47: {  	_ =	shalt  }
0x48: {  	_ =	shalt  }
0x49: {  	_ =	shalt  }
0x4a: {  	_ =	shalt  }
0x4b: {  	_ =	shalt  }
0x4c: {  	_ =	shalt  }
0x4d: {  	_ =	shalt  }
0x4e: {  	_ =	shalt  }
0x4f: {  	_ =	shalt  }
0x50: {  	_ =	shalt  }
0x51: {  	_ =	shalt  }
0x52: {  	_ =	shalt  }
0x53: {  	_ =	shalt  }
0x54: {  	_ =	shalt  }
0x55: {  	_ =	shalt  }
0x56: {  	_ =	shalt  }
0x57: {  	_ =	shalt  }
0x58: {  	_ =	shalt  }
0x59: {  	_ =	shalt  }
0x5a: {  	_ =	shalt  }
0x5b: {  	_ =	shalt  }
0x5c: {  	_ =	shalt  }
0x5d: {  	_ =	shalt  }
0x5e: {  	_ =	shalt  }
0x5f: {  	_ =	shalt  }
0x60: {  	_ =	shalt  }
0x61: {  	_ =	shalt  }
0x62: {  	_ =	shalt  }
0x63: {  	_ =	shalt  }
0x64: {  	_ =	shalt  }
0x65: {  	_ =	shalt  }
0x66: {  	_ =	shalt  }
0x67: {  	_ =	shalt  }
0x68: {  	_ =	shalt  }
0x69: {  	_ =	shalt  }
0x6a: {  	_ =	shalt  }
0x6b: {  	_ =	shalt  }
0x6c: {  	_ =	shalt  }
0x6d: {  	_ =	shalt  }
0x6e: {  	_ =	shalt  }
0x6f: {  	_ =	shalt  }
0x70: {  	_ =	shalt  }
0x71: {  	_ =	shalt  }
0x72: {  	_ =	shalt  }
0x73: {  	_ =	shalt  }
0x74: {  	_ =	shalt  }
0x75: {  	_ =	shalt  }
0x76: {  	_ =	shalt  }
0x77: {  	_ =	shalt  }
0x78: {  	_ =	shalt  }
0x79: {  	_ =	shalt  }
0x7a: {  	_ =	shalt  }
0x7b: {  	_ =	shalt  }
0x7c: {  	_ =	shalt  }
0x7d: {  	_ =	shalt  }
0x7e: {  	_ =	shalt  }
0x7f: {  	_ =	shalt  }
0x80: {  	_ =	shalt  }
0x81: {  	_ =	shalt  }
0x82: {  	_ =	shalt  }
0x83: {  	_ =	shalt  }
0x84: {  	_ =	shalt  }
0x85: {  	_ =	shalt  }
0x86: {  	_ =	shalt  }
0x87: {  	_ =	shalt  }
.Lfunc_end0:
.L_simem_size_0:
called_computation.1_lowered:
.L_overlay_start_0:
0x88: {  	s2 =	sld [smem:$0x3FD9]  }
0x89: {  	s3 =	sld [smem:$0x3FFE];
	_ =	sdelay $0x1  }
0x8a: {  	s1 =	srdreg.scid  }
0x8b: {  	s0 =	sand.u32 $0x1, s1  }
0x8c: {  	s17 =	sshll.u32 s0, $0xA;
	s2 =	sadd.s32 s3, s2  }
0x8d: {  	s2 =	sadd.s32 s2, s17  }
0x8e: {  	[smem:$0x3FC0] =	sst s2  }
0x8f: {  	_ = 	snop  }
0x90: {  	s2 =	sld [smem:$0x3FD0];
	(tm) =	ssettm $0x1  }
0x91: {  	s18 =	sld [smem:$0x3FFB];
	_ =	sdelay $0x3  }
0x92: {  	_ =	strace s18  }
0x93: {  	s3 =	sld [smem:$0x3FFC];
	_ =	sdelay $0x3  }
0x94: {  	_ =	strace s3  }
0x95: {  	s3 =	sld [smem:$0x3FFD];
	_ =	sdelay $0x3  }
0x96: {  	_ =	strace s3  }
0x97: {  	_ =	strace $0x8FFFFFFF  }
0x98: {  	s19 =	sld [smem:$0x3FDB];
	_ =	sdelay $0x1  }
0x99: {  	s4 =	simm.s32 $_scs_section_size  }
0x9a: {  	s5 =	simm.s32 $_size__tile_overlayer_lowered;
	s6 =	simm.s32 $_tile_overlayer_lowered  }
0x9b: {  	s22 =	simm.s32 $0x1BFF;
	s21 =	sshll.u32 s6, $0x1;
	s3 =	sadd.s32 s4, s19  }
0x9c: {  	s7 =	simm.s32 $0x0;
	s20 =	sshll.u32 s5, $0x1;
	s5 =	sadd.s32 s21, s3  }
0x9d: {  	[timem:s7], [sflag:s22] =	dma.local [hbm:s5], s20  }
0x9e: {  	_ =	swait.ge [sflag:s22], s20  }
0x9f: {  	s4 =	ssub.s32 $0x0, s20;
	[sflag:s22] =	ssyncset.done $0x0  }
0xa0: {  	[sflag:s22] =	ssyncadd.s32 s4;
	_ =	sdelay $0x1  }
0xa1: {  	s23 =	simm.s32 $0x1B8B  }
0xa2: {  	_ =	swait.ge [sflag:s23], $0x1  }
0xa3: {  	[sflag:s23] =	ssyncset.done $0x0  }
0xa4: {  	s25 =	simm.s32 $0x1B8E;
	s24 =	sld [smem:$0x3FFE];
	[sflag:s23] =	ssyncadd.s32 $0xFFFFFFFF  }
0xa5: {  	s26 =	simm.s32 $execute0_lowered;
	[smem:$0x3FD2] =	sst s25  }
0xa6: {  	s5 =	sshll.u32 s26, $0x1;
	_ =	strace $0x80000049;
	[dreg:$0x1] =	wrdreg $0xFFFFFFFF  }
0xa7: {  	s28 =	simm.s32 $_size_execute0_lowered;
	s3 =	sadd.s32 s3, s5;
	[dreg:$0x0] =	wrdreg $0x0  }
0xa8: {  	s5 =	sshll.u32 s28, $0x1;
	[dreg:$0x2] =	wrdreg s3  }
0xa9: {  	[dreg:$0x3] =	wrdreg s5  }
0xaa: {  	[dreg:$0x4] =	wrdreg $0xC0  }
0xab: {  	_ =	task [dreg:s7], $0x5FFFF  }
0xac: {  	[dreg:$0x1] =	wrdreg $0xFFFFFFFF  }
0xad: {  	[dreg:$0x0] =	wrdreg $0x60  }
0xae: {  	[dreg:$0x2] =	wrdreg s24  }
0xaf: {  	[dreg:$0x3] =	wrdreg s2  }
0xb0: {  	[dreg:$0x4] =	wrdreg $0xAA000  }
0xb1: {  	[dreg:$0x5] =	wrdreg $0x9  }
0xb2: {  	_ =	task.clear_ibuf [dreg:s7], $0x6FFFF;
	_ =	strace $0x90000049  }
0xb3: {  	s29 =	simm.s32 $0x9;
	_ =	strace $0x8000004B  }
0xb4: {  	_ =	swait.ge [sflag:s29], $0x1  }
0xb5: {  	[sflag:s29] =	ssyncadd.s32 $0xFFFFFFFF  }
0xb6: {  	_ =	strace $0x9000004B  }
0xb7: {  	_ =	sfence  }
0xb8: {  	s30 =	sld [smem:$0x0];
	_ =	sdelay $0x2  }
0xb9: {  	s31 =	sshll.u32 s1, $0xD;
	s1 =	sshrl.u32 s1, $0x2  }
0xba: {  	s3 =	sand.u32 $0x4000, s31;
	s1 =	sadd.s32 s1, s30  }
0xbb: {  	s0 =	sor.u32 s3, s0;
	s1 =	sshll.u32 s1, $0x11  }
0xbc: {  	s0 =	sor.u32 s1, s0  }
0xbd: {  	s0 =	sadd.s32 $0x8F2B, s0  }
0xbe: {  	[sflag:s0] =	ssyncadd.remote.s32 $0x1  }
0xbf: {  	_ =	sfence.sel $0xFFFF  }
0xc0: {  	[dreg:$0x0] =	wrdreg $0xFFFFFFFF;
	(pc) =	sbr.abs _section_cstart, $3  }
0xc1: {  	[dreg:$0x1] =	wrdreg $0xFFFFFFFF  }
0xc2: {  	_ =	task.clear_ibuf [dreg:s7], $0x2FFFF;
	_ =	strace $0x9FFFFFFF  }
0xc3: {  	(tm) =	ssettm $0x7FFFFFFF  }
tec
execute0_lowered:
.L_overlay_start_1:
0x0: {  	(tag) =	ssettag $0x1  }
0x1: {  	s0 =	rddreg [dreg:$0x0]  }
0x2: {  	s2 =	rddreg [dreg:$0x1]  }
0x3: {  	s1 =	rddreg [dreg:$0x2]  }
0x4: {  	s3 =	srdreg.scid;
	s13 =	stileid.u32;
	s28 =	simm.s32 $0x100  }
0x5: {  	s29 =	simm.s32 $0x180;
	s30 =	simm.s32 $0x4200;
	s7 =	smul.u32 $0x13C00, s13  }
0x6: {  	s31 =	simm.s32 $0x1;
	s6 =	sand.u32 $0x1, s3;
	s18 =	smul.u32 $0x4F000, s13  }
0x7: {  	s3 =	simm.s32 $0x0;
	s4 =	sadd.s32 $0xCE00, s0;
	s17 =	smul.u32 $0x2800, s13  }
0x8: {  	s8 =	sadd.s32 $0x2E00, s0;
	s5 =	smul.u32 $0x13C000, s6;
	[smem:$0x7FF] =	sst s3  }
0x9: {  	s9 =	ssub.s32 $0x2, s6;
	s20 =	sshll.u32 s6, $0x4;
	s6 =	smul.u32 $0x28000, s6  }
0xa: {  	_ =	strace $0x8000004A;
	s19 =	sshrl.u32 s9, $0x1;
	s21 =	sor.u32 s13, s20  }
0xb: {  	s5 =	sadd.s32 s7, s5;
	s7 =	sshrl.u32 s18, $0x2;
	s6 =	sadd.s32 s17, s6  }
0xc: {  	s18 =	ssub.s32 s9, s19;
	s5 =	sshrl.u32 s5, $0x3;
	s26 =	sor.u32 $0x180, s6  }
0xd: {  	s6 =	sor.u32 $0x100, s6;
	s18 =	smax.u32 s18, $0x1;
	s0 =	sadd.s32 s5, s0  }
0xe: {  	s5 =	sadd.s32 s7, s1;
	s7 =	smul.u32 $0x2800, s21;
	s6 =	sshrl.u32 s6, $0x3  }
0xf: {  	s22 =	sadd.s32 $0x2780, s5;
	s23 =	sadd.s32 $0x4F00, s5;
	s24 =	sadd.s32 $0x7680, s5  }
0x10: {  	s25 =	sadd.s32 $0x9E00, s5;
	s10 =	sadd.s32 $0xC580, s5;
	[dreg:$0x4] =	wrdreg s22  }
0x11: {  	s11 =	sadd.s32 $0xED00, s5;
	s12 =	sadd.s32 $0x11480, s5;
	[dreg:$0x5] =	wrdreg s23  }
0x12: {  	s17 =	sadd.s32 $0x34600, s0;
	s0 =	sshrl.u32 s26, $0x3;
	[dreg:$0x6] =	wrdreg s24  }
0x13: {  	s21 =	sadd.s32 s6, s2;
	s26 =	simm.s32 $0x200;
	[dreg:$0x7] =	wrdreg s25  }
0x14: {  	s7 =	sshrl.u32 s7, $0x3;
	s19 =	sadd.s32 s0, s2;
	s20 =	sadd.s32 s0, s8  }
0x15: {  	s22 =	sadd.s32 s6, s8;
	s23 =	simm.s32 $0x8200;
	s24 =	simm.s32 $0x4  }
0x16: {  	s25 =	simm.s32 $0x80;
	s0 =	simm.s32 $0x3;
	s6 =	simm.s32 $0x0  }
0x17: {  	s13 =	sadd.s32 s8, s7;
	s14 =	sadd.s32 s2, s7;
	s7 =	sor.u32 $0x10, s7  }
0x18: {  	v0 =	vimm.f32 $0.0e+00;
	s15 =	sadd.s32 s8, s7;
	s16 =	sadd.s32 s2, s7;
	s2 =	simm.s32 $0x2  }
.LBB2_1:
0x19: {  	s7 =	simm.s32 $0x0;
	s8 =	simm.s32 $0x200  }
.LBB2_2:
0x1a: {  	p0 =	sne.s32 s8, $0x9C00;
	[tilespmem:s7+$0x8270] =	vst v0  }
0x1b: {  	[tilespmem:s7+$0x8200] =	vst v0  }
0x1c: {  	[tilespmem:s7+$0x8210] =	vst v0  }
.Ltmp0:
0x1d: {  	[tilespmem:s7+$0x8220] =	vst v0;
	(pc) =	sbr.rel @p0 .LBB2_2-.Ltmp0, $4  }
0x1e: {  	[tilespmem:s7+$0x8230] =	vst v0  }
0x1f: {  	[tilespmem:s7+$0x8240] =	vst v0  }
0x20: {  	[tilespmem:s7+$0x8250] =	vst v0  }
0x21: {  	[tilespmem:s7+$0x8260] =	vst v0;
	s7 =	sshra.s32 s8, $0x2;
	s8 =	sadd.s32 $0x200, s8  }
0x22: {  	[tilespmem:s7+$0x8270] =	vst v0  }
0x23: {  	[tilespmem:s7+$0x8200] =	vst v0  }
0x24: {  	[tilespmem:s7+$0x8210] =	vst v0  }
0x25: {  	[tilespmem:s7+$0x8220] =	vst v0  }
0x26: {  	[tilespmem:s7+$0x8230] =	vst v0  }
0x27: {  	[tilespmem:s7+$0x8240] =	vst v0  }
0x28: {  	[tilespmem:s7+$0x8250] =	vst v0  }
0x29: {  	[tilespmem:s7+$0x8260] =	vst v0  }
0x2a: {  	[spmem:s5] =	stream.linear.scatter [tilespmem:s23], [sflag:$0x4], $0x2780, $0x38;
	[tilespmem:$0x1E600] =	vst v63  }
0x2b: {  	_ =	swait.ge [sflag:s24], $0x2780  }
0x2c: {  	[sflag:s24] =	ssyncset.done $0x0  }
0x2d: {  	s9 =	rddreg [dreg:$0x4];
	[sflag:s24] =	ssyncadd.s32 $0xFFFFD880  }
0x2e: {  	[spmem:s9] =	stream.linear.scatter [tilespmem:s23], [sflag:$0x4], $0x2780, $0x38;
	[tilespmem:$0x1E600] =	vst v63  }
0x2f: {  	_ =	swait.ge [sflag:s24], $0x2780  }
0x30: {  	[sflag:s24] =	ssyncset.done $0x0  }
0x31: {  	s8 =	rddreg [dreg:$0x5];
	[sflag:s24] =	ssyncadd.s32 $0xFFFFD880  }
0x32: {  	[spmem:s8] =	stream.linear.scatter [tilespmem:s23], [sflag:$0x4], $0x2780, $0x38;
	[tilespmem:$0x1E600] =	vst v63  }
0x33: {  	_ =	swait.ge [sflag:s24], $0x2780  }
0x34: {  	[sflag:s24] =	ssyncset.done $0x0  }
0x35: {  	s9 =	rddreg [dreg:$0x6];
	[sflag:s24] =	ssyncadd.s32 $0xFFFFD880  }
0x36: {  	[spmem:s9] =	stream.linear.scatter [tilespmem:s23], [sflag:$0x4], $0x2780, $0x38;
	[tilespmem:$0x1E600] =	vst v63  }
0x37: {  	_ =	swait.ge [sflag:s24], $0x2780  }
0x38: {  	[sflag:s24] =	ssyncset.done $0x0  }
0x39: {  	s8 =	rddreg [dreg:$0x7];
	[sflag:s24] =	ssyncadd.s32 $0xFFFFD880  }
0x3a: {  	[spmem:s8] =	stream.linear.scatter [tilespmem:s23], [sflag:$0x4], $0x2780, $0x38;
	[tilespmem:$0x1E600] =	vst v63  }
0x3b: {  	_ =	swait.ge [sflag:s24], $0x2780  }
0x3c: {  	[sflag:s24] =	ssyncset.done $0x0  }
0x3d: {  	[sflag:s24] =	ssyncadd.s32 $0xFFFFD880  }
0x3e: {  	[spmem:s10] =	stream.linear.scatter [tilespmem:s23], [sflag:$0x4], $0x2780, $0x38;
	[tilespmem:$0x1E600] =	vst v63  }
0x3f: {  	_ =	swait.ge [sflag:s24], $0x2780  }
0x40: {  	[sflag:s24] =	ssyncset.done $0x0  }
0x41: {  	[sflag:s24] =	ssyncadd.s32 $0xFFFFD880  }
0x42: {  	[spmem:s11] =	stream.linear.scatter [tilespmem:s23], [sflag:$0x4], $0x2780, $0x38;
	[tilespmem:$0x1E600] =	vst v63  }
0x43: {  	_ =	swait.ge [sflag:s24], $0x2780  }
0x44: {  	[sflag:s24] =	ssyncset.done $0x0  }
0x45: {  	[sflag:s24] =	ssyncadd.s32 $0xFFFFD880  }
0x46: {  	[spmem:s12] =	stream.linear.scatter [tilespmem:s23], [sflag:$0x4], $0x2780, $0x38;
	[tilespmem:$0x1E600] =	vst v63  }
0x47: {  	_ =	swait.ge [sflag:s24], $0x2780  }
0x48: {  	[sflag:s24] =	ssyncset.done $0x0  }
0x49: {  	[sflag:s24] =	ssyncadd.s32 $0xFFFFD880  }
0x4a: {  	s9 =	simm.s32 $0x0;
	[bflag:$0x0] =	sbarrier.arrive $0xFFFF  }
0x4b: {  	[tilespmem:s9], [sflag:$0x4] =	stream.linear.gather [hbm4b:s13+s9], $0x80, $0x38;
	[tilespmem:$0x1E600] =	vst v63  }
0x4c: {  	_ =	swait.ge [sflag:s24], $0x80  }
0x4d: {  	[sflag:s24] =	ssyncset.done $0x0  }
0x4e: {  	[sflag:s24] =	ssyncadd.s32 $0xFFFFFF80  }
0x4f: {  	[tilespmem:s25], [sflag:$0x4] =	stream.linear.gather [hbm4b:s14+s9], $0x80, $0x38;
	[tilespmem:$0x1E600] =	vst v63  }
0x50: {  	_ =	swait.ge [sflag:s24], $0x80  }
0x51: {  	[sflag:s24] =	ssyncset.done $0x0  }
0x52: {  	[sflag:s24] =	ssyncadd.s32 $0xFFFFFF80  }
0x53: {  	[tilespmem:s26], [sflag:$0x1] =	stream.indirect.gather [hbm4b:s4+s25], $0x80, s9, s25, $0xb8;
	[tilespmem:$0x1E600] =	vst v63  }
0x54: {  	_ = 	snop  }
0x55: {  	[tilespmem:s28], [sflag:$0x4] =	stream.linear.gather [hbm4b:s15+s9], $0x80, $0x38;
	[tilespmem:$0x1E600] =	vst v63  }
0x56: {  	_ =	swait.ge [sflag:s24], $0x80  }
0x57: {  	[sflag:s24] =	ssyncset.done $0x0  }
0x58: {  	[sflag:s24] =	ssyncadd.s32 $0xFFFFFF80  }
0x59: {  	[tilespmem:s29], [sflag:$0x4] =	stream.linear.gather [hbm4b:s16+s9], $0x80, $0x38;
	[tilespmem:$0x1E600] =	vst v63  }
0x5a: {  	_ =	swait.ge [sflag:s24], $0x80  }
0x5b: {  	[sflag:s24] =	ssyncset.done $0x0  }
0x5c: {  	[sflag:s24] =	ssyncadd.s32 $0xFFFFFF80  }
0x5d: {  	[tilespmem:s30], [sflag:$0x2] =	stream.indirect.gather [hbm4b:s4+s25], $0x80, s28, s25, $0xb8;
	[tilespmem:$0x1E600] =	vst v63  }
0x5e: {  	_ =	swait.ge [sflag:s31], $0x4000  }
0x5f: {  	[sflag:s31] =	ssyncset.done $0x0  }
0x60: {  	[sflag:s31] =	ssyncadd.s32 $0xFFFFC000  }
0x61: {  	[spmem:s1] =	stream.indirect.scatter.add.f32 [tilespmem:s26], [sflag:$0x3], $0x80, s25, s25, $0xb8;
	[tilespmem:$0x1E600] =	vst v63  }
0x62: {  	s8 =	sadd.s32 $0x0, s22  }
0x63: {  	[tilespmem:s3], [sflag:$0x4] =	stream.linear.gather [hbm4b:s8+s3], $0x80, $0x38;
	[tilespmem:$0x1E600] =	vst v63  }
0x64: {  	_ =	swait.ge [sflag:s24], $0x80  }
0x65: {  	[sflag:s24] =	ssyncset.done $0x0  }
0x66: {  	[sflag:s24] =	ssyncadd.s32 $0xFFFFFF80  }
0x67: {  	_ =	swait.ge [sflag:s0], $0x4000  }
0x68: {  	[sflag:s0] =	ssyncset.done $0x0  }
0x69: {  	s9 =	sadd.s32 $0x0, s21;
	[sflag:s0] =	ssyncadd.s32 $0xFFFFC000  }
0x6a: {  	[tilespmem:s25], [sflag:$0x4] =	stream.linear.gather [hbm4b:s9+s3], $0x80, $0x38;
	[tilespmem:$0x1E600] =	vst v63  }
0x6b: {  	_ =	swait.ge [sflag:s24], $0x80  }
0x6c: {  	[sflag:s24] =	ssyncset.done $0x0  }
0x6d: {  	[sflag:s24] =	ssyncadd.s32 $0xFFFFFF80  }
0x6e: {  	[tilespmem:s26], [sflag:$0x1] =	stream.indirect.gather [hbm4b:s4+s25], $0x80, s3, s25, $0xb8;
	[tilespmem:$0x1E600] =	vst v63  }
0x6f: {  	_ =	swait.ge [sflag:s2], $0x4000  }
0x70: {  	[sflag:s2] =	ssyncset.done $0x0  }
0x71: {  	[sflag:s2] =	ssyncadd.s32 $0xFFFFC000  }
0x72: {  	[spmem:s1] =	stream.indirect.scatter.add.f32 [tilespmem:s30], [sflag:$0x3], $0x80, s29, s25, $0xb8;
	[tilespmem:$0x1E600] =	vst v63  }
0x73: {  	s8 =	sadd.s32 $0x0, s20  }
0x74: {  	[tilespmem:s28], [sflag:$0x4] =	stream.linear.gather [hbm4b:s8+s3], $0x80, $0x38;
	[tilespmem:$0x1E600] =	vst v63  }
0x75: {  	_ =	swait.ge [sflag:s24], $0x80  }
0x76: {  	[sflag:s24] =	ssyncset.done $0x0  }
0x77: {  	[sflag:s24] =	ssyncadd.s32 $0xFFFFFF80  }
0x78: {  	_ =	swait.ge [sflag:s0], $0x4000  }
0x79: {  	[sflag:s0] =	ssyncset.done $0x0  }
0x7a: {  	s9 =	sadd.s32 $0x0, s19;
	[sflag:s0] =	ssyncadd.s32 $0xFFFFC000  }
0x7b: {  	[tilespmem:s29], [sflag:$0x4] =	stream.linear.gather [hbm4b:s9+s3], $0x80, $0x38;
	[tilespmem:$0x1E600] =	vst v63  }
0x7c: {  	_ =	swait.ge [sflag:s24], $0x80  }
0x7d: {  	[sflag:s24] =	ssyncset.done $0x0  }
0x7e: {  	s7 =	simm.s32 $0x20;
	[sflag:s24] =	ssyncadd.s32 $0xFFFFFF80  }
.LBB2_4:
0x7f: {  	[tilespmem:s30], [sflag:$0x2] =	stream.indirect.gather [hbm4b:s4+s25], $0x80, s28, s25, $0xb8;
	[tilespmem:$0x1E600] =	vst v63  }
0x80: {  	s8 =	smov.u32 s7  }
0x81: {  	p0 =	sne.s32 s7, $0x4C0;
	s7 =	sadd.s32 $0x20, s7;
	_ =	swait.ge [sflag:s31], $0x4000  }
0x82: {  	[sflag:s31] =	ssyncset.done $0x0  }
0x83: {  	[sflag:s31] =	ssyncadd.s32 $0xFFFFC000  }
0x84: {  	[spmem:s1] =	stream.indirect.scatter.add.f32 [tilespmem:s26], [sflag:$0x3], $0x80, s25, s25, $0xb8;
	[tilespmem:$0x1E600] =	vst v63  }
0x85: {  	s9 =	sadd.s32 s8, s22  }
0x86: {  	[tilespmem:s3], [sflag:$0x4] =	stream.linear.gather [hbm4b:s9+s3], $0x80, $0x38;
	[tilespmem:$0x1E600] =	vst v63  }
0x87: {  	_ =	swait.ge [sflag:s24], $0x80  }
0x88: {  	[sflag:s24] =	ssyncset.done $0x0  }
0x89: {  	[sflag:s24] =	ssyncadd.s32 $0xFFFFFF80  }
0x8a: {  	_ =	swait.ge [sflag:s0], $0x4000  }
0x8b: {  	[sflag:s0] =	ssyncset.done $0x0  }
0x8c: {  	s9 =	sadd.s32 s8, s21;
	[sflag:s0] =	ssyncadd.s32 $0xFFFFC000  }
0x8d: {  	[tilespmem:s25], [sflag:$0x4] =	stream.linear.gather [hbm4b:s9+s3], $0x80, $0x38;
	[tilespmem:$0x1E600] =	vst v63  }
0x8e: {  	_ =	swait.ge [sflag:s24], $0x80  }
0x8f: {  	[sflag:s24] =	ssyncset.done $0x0  }
0x90: {  	[sflag:s24] =	ssyncadd.s32 $0xFFFFFF80  }
0x91: {  	[tilespmem:s26], [sflag:$0x1] =	stream.indirect.gather [hbm4b:s4+s25], $0x80, s3, s25, $0xb8;
	[tilespmem:$0x1E600] =	vst v63  }
0x92: {  	_ =	swait.ge [sflag:s2], $0x4000  }
0x93: {  	[sflag:s2] =	ssyncset.done $0x0  }
0x94: {  	[sflag:s2] =	ssyncadd.s32 $0xFFFFC000  }
0x95: {  	[spmem:s1] =	stream.indirect.scatter.add.f32 [tilespmem:s30], [sflag:$0x3], $0x80, s29, s25, $0xb8;
	[tilespmem:$0x1E600] =	vst v63  }
0x96: {  	s9 =	sadd.s32 s8, s20  }
0x97: {  	[tilespmem:s28], [sflag:$0x4] =	stream.linear.gather [hbm4b:s9+s3], $0x80, $0x38;
	[tilespmem:$0x1E600] =	vst v63  }
0x98: {  	_ =	swait.ge [sflag:s24], $0x80  }
0x99: {  	[sflag:s24] =	ssyncset.done $0x0  }
0x9a: {  	[sflag:s24] =	ssyncadd.s32 $0xFFFFFF80  }
0x9b: {  	_ =	swait.ge [sflag:s0], $0x4000  }
0x9c: {  	[sflag:s0] =	ssyncset.done $0x0  }
.Ltmp1:
0x9d: {  	s8 =	sadd.s32 s8, s19;
	[sflag:s0] =	ssyncadd.s32 $0xFFFFC000;
	(pc) =	sbr.rel @p0 .LBB2_4-.Ltmp1, $4  }
0x9e: {  	[tilespmem:s29], [sflag:$0x4] =	stream.linear.gather [hbm4b:s8+s3], $0x80, $0x38;
	[tilespmem:$0x1E600] =	vst v63  }
0x9f: {  	_ =	swait.ge [sflag:s24], $0x80  }
0xa0: {  	[sflag:s24] =	ssyncset.done $0x0  }
0xa1: {  	[sflag:s24] =	ssyncadd.s32 $0xFFFFFF80  }
0xa2: {  	[tilespmem:s30], [sflag:$0x2] =	stream.indirect.gather [hbm4b:s4+s25], $0x80, s28, s25, $0xb8;
	[tilespmem:$0x1E600] =	vst v63  }
0xa3: {  	_ =	swait.ge [sflag:s31], $0x4000  }
0xa4: {  	[sflag:s31] =	ssyncset.done $0x0  }
0xa5: {  	[sflag:s31] =	ssyncadd.s32 $0xFFFFC000  }
0xa6: {  	[spmem:s1] =	stream.indirect.scatter.add.f32 [tilespmem:s26], [sflag:$0x3], $0x80, s25, s25, $0xb8;
	[tilespmem:$0x1E600] =	vst v63  }
0xa7: {  	_ =	swait.ge [sflag:s0], $0x4000  }
0xa8: {  	[sflag:s0] =	ssyncset.done $0x0  }
0xa9: {  	[sflag:s0] =	ssyncadd.s32 $0xFFFFC000  }
0xaa: {  	_ =	swait.ge [sflag:s2], $0x4000  }
0xab: {  	[sflag:s2] =	ssyncset.done $0x0  }
0xac: {  	[sflag:s2] =	ssyncadd.s32 $0xFFFFC000  }
0xad: {  	[spmem:s1] =	stream.indirect.scatter.add.f32 [tilespmem:s30], [sflag:$0x3], $0x80, s29, s25, $0xb8;
	[tilespmem:$0x1E600] =	vst v63  }
0xae: {  	s7 =	stileid.u32;
	_ =	swait.ge [sflag:s0], $0x4000  }
0xaf: {  	s8 =	sshrl.u32 s5, $0x3;
	s6 =	sadd.s32 $0x1, s6;
	[sflag:s0] =	ssyncset.done $0x0  }
0xb0: {  	s7 =	sshll.u32 s7, $0x6;
	p0 =	sne.s32 s6, s18;
	[sflag:s0] =	ssyncadd.s32 $0xFFFFC000  }
.Ltmp2:
0xb1: {  	s7 =	sor.u32 $0x1C04, s7;
	[bflag:$0x0] =	sbarrier.arrive $0xFFFF;
	(pc) =	sbr.rel @p0 .LBB2_1-.Ltmp2, $4  }
0xb2: {  	[hbm:s17], [sflag:s7] =	dma.local [spmem:s8], $0x2780  }
0xb3: {  	_ =	swait.ge [sflag:s24], $0x2780  }
0xb4: {  	[sflag:s24] =	ssyncset.done $0x0  }
0xb5: {  	[sflag:s24] =	ssyncadd.s32 $0xFFFFD880  }
0xb6: {  	_ =	sfence.sel $0x180000  }
0xb7: {  	[bflag:$0x0] =	sbarrier.arrive $0xFFFF  }
0xb8: {  	_ =	strace $0x9000004A  }
0xb9: {  	s0 =	stileid.u32;
	[bflag:$0x2] =	sbarrier.arrive $0xFFFF  }
0xba: {  	p0 =	sne.s32 s0, $0x0;
	s0 =	rddreg [dreg:$0x3]  }
0xbb: {  	s0 =	sadd.s32 @!p0 $0x100000, s0  }
0xbc: {  	[sflag:s0] =	ssyncadd.tile.s32 @!p0 $0x1;
	_ =	shalt  }
.Lfunc_end2:
_tile_overlayer_lowered:
.L_overlay_start_2:
0xbd: {  	(tag) =	ssettag $0x2  }
0xbe: {  	s0 =	rddreg [dreg:$0x0];
	s2 =	stileid.u32  }
0xbf: {  	s1 =	rddreg [dreg:$0x1];
	p0 =	sne.s32 s2, $0x0  }
0xc0: {  	s3 =	rddreg [dreg:$0x2];
	[bflag:$0x3] =	sbarrier.arrive $0xFFFF;
	s2 =	simm.s32 @!p0 $0x1C04  }
0xc1: {  	[timem:s3], [sflag:s2] =	dma.local @!p0 [hbm:s0], s1  }
0xc2: {  	s0 =	simm.s32 @!p0 $0x4  }
0xc3: {  	_ =	swait.ge @!p0 [sflag:s0], s1  }
0xc4: {  	s1 =	ssub.s32 @!p0 $0x0, s1;
	[sflag:s0] =	ssyncset.done @!p0 $0x0  }
0xc5: {  	[sflag:s0] =	ssyncadd.s32 @!p0 s1  }
0xc6: {  	[bflag:$0x3] =	sbarrier.arrive $0xFFFF  }
0xc7: {  	_ =	shalt  }

</sc_bundles>
